<compile_context>
chip_gen: v7x
topology: tpu7x:2x2x1
jax: 0.10.2.dev20260603
libtpu: 0.0.44.dev20260713+nightly
codegen_flags: <defaults>
</compile_context>

<pallas_src>
import functools

import jax
import jax.numpy as jnp
from jax import lax
from jax.experimental import pallas as pl
from jax.experimental.pallas import tpu as pltpu
from jax.experimental.pallas import tpu_sc as plsc

N = 10000
E = 320000
D = 128
N_PAD = 10240
NC, NS = 2, 16
NW = NC * NS
CH = 128
CH_PER_W = 80
E_PAD = NW * CH_PER_W * CH
RPT = N_PAD // NS
CROWS = N_PAD // D
CNT_PAD = 128
BLK = 512


def _pre_body(x_ref, g_ref, b_ref, wl_ref, wr_ref, hl_ref, hr_ref):
    x = x_ref[...]
    mu = jnp.mean(x, axis=-1, keepdims=True)
    xc = x - mu
    var = jnp.mean(xc * xc, axis=-1, keepdims=True)
    h = xc * lax.rsqrt(var + 1e-5) * g_ref[...] + b_ref[...]
    h = jnp.maximum(h, 0.0)
    hl_ref[...] = jnp.dot(h, wl_ref[...], preferred_element_type=jnp.float32)
    hr_ref[...] = jnp.dot(h, wr_ref[...], preferred_element_type=jnp.float32)


def _pre(xp, gamma, beta, wlT, wrT):
    return pl.pallas_call(
        _pre_body,
        grid=(N_PAD // BLK,),
        in_specs=[
            pl.BlockSpec((BLK, D), lambda i: (i, 0)),
            pl.BlockSpec((1, D), lambda i: (0, 0)),
            pl.BlockSpec((1, D), lambda i: (0, 0)),
            pl.BlockSpec((D, D), lambda i: (0, 0)),
            pl.BlockSpec((D, D), lambda i: (0, 0)),
        ],
        out_specs=[
            pl.BlockSpec((BLK, D), lambda i: (i, 0)),
            pl.BlockSpec((BLK, D), lambda i: (i, 0)),
        ],
        out_shape=[
            jax.ShapeDtypeStruct((N_PAD, D), jnp.float32),
            jax.ShapeDtypeStruct((N_PAD, D), jnp.float32),
        ],
    )(xp, gamma.reshape(1, D), beta.reshape(1, D), wlT, wrT)


QCH = 16
CPT0 = 80
CPT1 = 80


def _sc_aggregate(src2d, dst2d, hl, z128, z1d):
    mesh = plsc.VectorSubcoreMesh(core_axis_name="c", subcore_axis_name="s")

    @functools.partial(
        pl.kernel,
        mesh=mesh,
        out_type=[
            jax.ShapeDtypeStruct((N_PAD, D), jnp.float32),
            jax.ShapeDtypeStruct((N_PAD, D), jnp.float32),
            jax.ShapeDtypeStruct((N_PAD,), jnp.float32),
            jax.ShapeDtypeStruct((N_PAD,), jnp.float32),
        ],
        scratch_types=[
            pltpu.VMEM((QCH, 1, CH), jnp.int32),
            pltpu.VMEM((QCH, 1, CH), jnp.int32),
            pltpu.VMEM((CH, D), jnp.float32),
            pltpu.VMEM((CH, D), jnp.float32),
            pltpu.VMEM((CH,), jnp.float32),
            pltpu.VMEM((RPT,), jnp.float32),
            pltpu.VMEM_SHARED((N_PAD, D), jnp.float32),
            pltpu.VMEM_SHARED((N_PAD,), jnp.float32),
            pltpu.SemaphoreType.DMA,
            pltpu.SemaphoreType.DMA,
            pltpu.SemaphoreType.DMA,
        ],
    )
    def k(src_hbm, dst_hbm, hl_hbm, z128_hbm, z1d_hbm,
          acc0_out, acc1_out, cnt0_out, cnt1_out,
          sidx_v, didx_v, r0, r1, ones_v, cbuf_v,
          acc_sh, cnt_sh, g0, g1, sc):
        rows = (r0, r1)
        sems = (g0, g1)
        c = lax.axis_index("c")
        s = lax.axis_index("s")
        base = s * RPT
        nflush = RPT // CH
        nch = lax.select(c == 0, CPT0, CPT1)
        npair = nch // 2
        ebase = lax.select(c == 0, s * CPT0, NS * CPT0 + s * CPT1)

        pltpu.sync_copy(z128_hbm, r0)
        pltpu.sync_copy(z1d_hbm.at[pl.ds(0, RPT)], cbuf_v)
        for j in range(nflush):
            pltpu.sync_copy(r0, acc_sh.at[pl.ds(base + j * CH, CH)])
        pltpu.sync_copy(cbuf_v, cnt_sh.at[pl.ds(base, RPT)])
        for j in range(CH // 16):
            ones_v[pl.ds(j * 16, 16)] = jnp.full((16,), 1.0, dtype=jnp.float32)
        pltpu.sync_copy(src_hbm.at[pl.ds(ebase, QCH)], sidx_v)
        pltpu.sync_copy(dst_hbm.at[pl.ds(ebase, QCH)], didx_v)
        plsc.subcore_barrier()

        pltpu.async_copy(hl_hbm.at[sidx_v.at[0, 0]], r0, g0)
        pltpu.async_copy(hl_hbm.at[sidx_v.at[1, 0]], r1, g1)

        def body(g, carry):
            for b in range(2):
                i = g * 2 + b
                drow = didx_v.at[lax.rem(i, QCH), 0]

                def _drain_cnt():
                    pltpu.make_async_copy(ones_v, cnt_sh.at[drow], sc).wait()
                if b == 0:
                    pl.when(g > 0)(_drain_cnt)
                else:
                    _drain_cnt()

                if b == 0:
                    @pl.when((lax.rem(g, QCH // 2) == 0) & (g > 0))
                    def _():
                        pltpu.sync_copy(
                            dst_hbm.at[pl.ds(ebase + i, QCH)], didx_v)

                pltpu.make_async_copy(
                    hl_hbm.at[pl.ds(0, CH)], rows[b], sems[b]).wait()
                pltpu.sync_copy(rows[b], acc_sh.at[drow], add=True)
                pltpu.async_copy(ones_v, cnt_sh.at[drow], sc, add=True)

                if b == 0:
                    @pl.when((lax.rem(g, QCH // 2) == QCH // 2 - 1)
                             & (g < npair - 1))
                    def _():
                        pltpu.sync_copy(
                            src_hbm.at[pl.ds(ebase + i + 2, QCH)], sidx_v)

                @pl.when(i + 2 < nch)
                def _():
                    pltpu.async_copy(
                        hl_hbm.at[sidx_v.at[lax.rem(i + 2, QCH), 0]],
                        rows[b], sems[b])
            return carry

        lax.fori_loop(0, npair, body, 0)
        pltpu.make_async_copy(ones_v, cnt_sh.at[didx_v.at[0, 0]], sc).wait()
        plsc.subcore_barrier()

        @pl.when(c == 0)
        def _():
            for j in range(nflush):
                off = base + j * CH
                pltpu.sync_copy(acc_sh.at[pl.ds(off, CH)], r0)
                pltpu.sync_copy(r0, acc0_out.at[pl.ds(off, CH)])
            pltpu.sync_copy(cnt_sh.at[pl.ds(base, RPT)], cbuf_v)
            pltpu.sync_copy(cbuf_v, cnt0_out.at[pl.ds(base, RPT)])

        @pl.when(c == 1)
        def _():
            for j in range(nflush):
                off = base + j * CH
                pltpu.sync_copy(acc_sh.at[pl.ds(off, CH)], r0)
                pltpu.sync_copy(r0, acc1_out.at[pl.ds(off, CH)])
            pltpu.sync_copy(cnt_sh.at[pl.ds(base, RPT)], cbuf_v)
            pltpu.sync_copy(cbuf_v, cnt1_out.at[pl.ds(base, RPT)])

    return k(src2d, dst2d, hl, z128, z1d)


def _post_body(a0_ref, a1_ref, c0_ref, c1_ref, hr_ref, bl_ref, o_ref):
    denom = jnp.maximum(c0_ref[...] + c1_ref[...], 1.0)
    o_ref[...] = (a0_ref[...] + a1_ref[...]) / denom + hr_ref[...] + bl_ref[...]


def _post(acc0, acc1, cnt0, cnt1, hr, b_l):
    return pl.pallas_call(
        _post_body,
        grid=(N_PAD // BLK,),
        in_specs=[
            pl.BlockSpec((BLK, D), lambda i: (i, 0)),
            pl.BlockSpec((BLK, D), lambda i: (i, 0)),
            pl.BlockSpec((BLK, 1), lambda i: (i, 0)),
            pl.BlockSpec((BLK, 1), lambda i: (i, 0)),
            pl.BlockSpec((BLK, D), lambda i: (i, 0)),
            pl.BlockSpec((1, D), lambda i: (0, 0)),
        ],
        out_specs=pl.BlockSpec((BLK, D), lambda i: (i, 0)),
        out_shape=jax.ShapeDtypeStruct((N_PAD, D), jnp.float32),
    )(acc0, acc1, cnt0, cnt1, hr, b_l.reshape(1, D))


def kernel(x, edge_index, gamma, beta, W_l, b_l, W_r):
    xp = jnp.pad(x, ((0, N_PAD - N), (0, 0)))
    src = jnp.concatenate([edge_index[0], jnp.zeros((E_PAD - E,), jnp.int32)])
    dst = jnp.concatenate([edge_index[1], jnp.full((E_PAD - E,), N, jnp.int32)])
    src2d = jnp.pad(src.reshape(E_PAD // CH, 1, CH), ((0, QCH), (0, 0), (0, 0)))
    dst2d = jnp.pad(dst.reshape(E_PAD // CH, 1, CH), ((0, QCH), (0, 0), (0, 0)),
                    constant_values=N)
    hl, hr = _pre(xp, gamma, beta, W_l.T, W_r.T)
    z128 = jnp.zeros((CH, D), jnp.float32)
    z1d = jnp.zeros((N_PAD,), jnp.float32)
    acc0, acc1, cnt0, cnt1 = _sc_aggregate(src2d, dst2d, hl, z128, z1d)
    c0 = cnt0.reshape(N_PAD, 1)
    c1 = cnt1.reshape(N_PAD, 1)
    out = _post(acc0, acc1, c0, c1, hr, b_l)
    return out[:N]

# --- scband reference (transcript-rebuilt; emitter-appended) ---
"""Pipeline reference for scband-gnnconv-37014028156990 (READ-ONLY COPY).

The authoritative reference and input builder live on the scoring server;
editing this copy changes nothing except your own understanding.
"""

import jax, jax.numpy as jnp
import numpy as np

N, E, D_IN, D_OUT = 10000, 320000, 128, 128

def setup_inputs(seed: int = 0) -> dict:
    key = jax.random.key(seed)
    k1, k2, k3, k4 = jax.random.split(key, 4)
    x = jax.random.normal(k1, (N, D_IN), dtype=jnp.float32)
    edge_index = jax.random.randint(k2, (2, E), 0, N, dtype=jnp.int32)
    # LayerNorm affine params
    gamma = jnp.ones((D_IN,), dtype=jnp.float32)
    beta = jnp.zeros((D_IN,), dtype=jnp.float32)
    # SAGEConv params: lin_l (neighbor, with bias), lin_r (root, no bias)
    s = 1.0 / np.sqrt(D_IN)
    W_l = jax.random.uniform(k3, (D_OUT, D_IN), dtype=jnp.float32, minval=-s, maxval=s)
    b_l = jnp.zeros((D_OUT,), dtype=jnp.float32)
    W_r = jax.random.uniform(k4, (D_OUT, D_IN), dtype=jnp.float32, minval=-s, maxval=s)
    return {"x": x, "edge_index": edge_index, "gamma": gamma, "beta": beta, "W_l": W_l, "b_l": b_l, "W_r": W_r}

def reference(x, edge_index, gamma, beta, W_l, b_l, W_r):
    n = x.shape[0]
    # LayerNorm (elementwise_affine=True)
    mu = jnp.mean(x, axis=-1, keepdims=True)
    var = jnp.mean((x - mu) ** 2, axis=-1, keepdims=True)
    h = (x - mu) / jnp.sqrt(var + 1e-5) * gamma + beta
    # ReLU activation; dropout p=0.0 is identity
    h = jax.nn.relu(h)
    # SAGEConv with mean aggregation: out = lin_l(mean_{j in N(i)} h_j) + lin_r(h_i)
    src = edge_index[0]
    dst = edge_index[1]
    msg = jnp.take(h, src, axis=0)
    agg = jax.ops.segment_sum(msg, dst, num_segments=n)
    cnt = jax.ops.segment_sum(jnp.ones((msg.shape[0],), dtype=h.dtype), dst, num_segments=n)
    agg = agg / jnp.maximum(cnt, 1.0)[:, None]
    out = agg @ W_l.T + b_l + h @ W_r.T
    return out

if __name__ == "__main__":
    import jax
    _d = setup_inputs()
    print(jax.jit(kernel)(*tuple(_d.values())))

</pallas_src>

<mosaic_0001>
#map = affine_map<(d0, d1) -> (0, 0, 0)>
#map1 = affine_map<(d0, d1) -> (0, 0)>
#map2 = affine_map<(d0, d1) -> (0)>
module attributes {stable_mosaic.version = 14 : i64} {
  func.func @k(%arg0: i32, %arg1: i32, %arg2: memref<2576x1x128xi32, #tpu.memory_space<hbm>>, %arg3: memref<2576x1x128xi32, #tpu.memory_space<hbm>>, %arg4: memref<10240x128xf32, #tpu.memory_space<hbm>>, %arg5: memref<128x128xf32, #tpu.memory_space<hbm>>, %arg6: memref<10240xf32, #tpu.memory_space<hbm>>, %arg7: memref<10240x128xf32, #tpu.memory_space<hbm>>, %arg8: memref<10240x128xf32, #tpu.memory_space<hbm>>, %arg9: memref<10240xf32, #tpu.memory_space<hbm>>, %arg10: memref<10240xf32, #tpu.memory_space<hbm>>, %arg11: memref<16x1x128xi32, #tpu.memory_space<vmem>>, %arg12: memref<16x1x128xi32, #tpu.memory_space<vmem>>, %arg13: memref<128x128xf32, #tpu.memory_space<vmem>>, %arg14: memref<128x128xf32, #tpu.memory_space<vmem>>, %arg15: memref<128xf32, #tpu.memory_space<vmem>>, %arg16: memref<640xf32, #tpu.memory_space<vmem>>, %arg17: memref<10240x128xf32, #tpu.memory_space<vmem_shared>>, %arg18: memref<10240xf32, #tpu.memory_space<vmem_shared>>, %arg19: memref<!tpu.dma_semaphore, #tpu.memory_space<semaphore_mem>>, %arg20: memref<!tpu.dma_semaphore, #tpu.memory_space<semaphore_mem>>, %arg21: memref<!tpu.dma_semaphore, #tpu.memory_space<semaphore_mem>>) attributes {dimension_semantics = [#tpu.dimension_semantics<core_parallel>, #tpu.dimension_semantics<subcore_parallel>], iteration_bounds = array<i64: 2, 16>, scalar_prefetch = 0 : i64, scratch_operands = 11 : i64, tpu.core_type = #tpu.core_type<sc_vector_subcore>, window_params = [{transform_indices = #map}, {transform_indices = #map}, {transform_indices = #map1}, {transform_indices = #map1}, {transform_indices = #map2}, {transform_indices = #map1}, {transform_indices = #map1}, {transform_indices = #map2}, {transform_indices = #map2}]} {
    %mul3A = arith.constant 640 : i32
    %mul3A_0 = arith.muli %arg1, %mul3A : i32
    %eq3A = arith.constant 0 : i32
    %eq3A_1 = arith.cmpi eq, %arg0, %eq3A : i32
    %select_n3A = arith.constant 80 : i32
    %select_n3A_2 = arith.constant 80 : i32
    %select_n3A_3 = arith.select %eq3A_1, %select_n3A_2, %select_n3A : i32
    %jit3A = arith.constant 2 : i32
    %div3A = arith.divsi %select_n3A_3, %jit3A : i32
    %sign3A = arith.constant 0 : i32
    %sign3A_4 = arith.cmpi sgt, %select_n3A_3, %sign3A : i32
    %sign3A_5 = arith.extui %sign3A_4 : i1 to i32
    %sign3A_6 = arith.constant 0 : i32
    %sign3A_7 = arith.cmpi slt, %select_n3A_3, %sign3A_6 : i32
    %sign3A_8 = arith.extui %sign3A_7 : i1 to i32
    %sign3A_9 = arith.subi %sign3A_5, %sign3A_8 : i32
    %sign3A_10 = arith.constant 0 : i32
    %sign3A_11 = arith.cmpi sgt, %jit3A, %sign3A_10 : i32
    %sign3A_12 = arith.extui %sign3A_11 : i1 to i32
    %sign3A_13 = arith.constant 0 : i32
    %sign3A_14 = arith.cmpi slt, %jit3A, %sign3A_13 : i32
    %sign3A_15 = arith.extui %sign3A_14 : i1 to i32
    %sign3A_16 = arith.subi %sign3A_12, %sign3A_15 : i32
    %ne3A = arith.cmpi ne, %sign3A_9, %sign3A_16 : i32
    %rem3A = arith.remsi %select_n3A_3, %jit3A : i32
    %ne3A_17 = arith.constant 0 : i32
    %ne3A_18 = arith.cmpi ne, %rem3A, %ne3A_17 : i32
    %and3A = arith.andi %ne3A, %ne3A_18 : i1
    %sub3A = arith.constant 1 : i32
    %sub3A_19 = arith.subi %div3A, %sub3A : i32
    %select_n3A_20 = arith.select %and3A, %sub3A_19, %div3A : i32
    %eq3A_21 = arith.constant 0 : i32
    %eq3A_22 = arith.cmpi eq, %arg0, %eq3A_21 : i32
    %mul3A_23 = arith.constant 80 : i32
    %mul3A_24 = arith.muli %arg1, %mul3A_23 : i32
    %mul3A_25 = arith.constant 80 : i32
    %mul3A_26 = arith.muli %arg1, %mul3A_25 : i32
    %add3A = arith.constant 1280 : i32
    %add3A_27 = arith.addi %add3A, %mul3A_26 : i32
    %select_n3A_28 = arith.select %eq3A_22, %mul3A_24, %add3A_27 : i32
    "tpu.region"() ({
      %run_scoped3A = tpu.sem_alloc : memref<!tpu.dma_semaphore, #tpu.memory_space<semaphore_mem>>
      tpu.enqueue_dma source(%arg5 : memref<128x128xf32, #tpu.memory_space<hbm>>) target(%arg13 : memref<128x128xf32, #tpu.memory_space<vmem>>) target_semaphore(%run_scoped3A : memref<!tpu.dma_semaphore, #tpu.memory_space<semaphore_mem>>)
      tpu.wait_dma2 semaphore(%run_scoped3A : memref<!tpu.dma_semaphore, #tpu.memory_space<semaphore_mem>>) src(%arg5 : memref<128x128xf32, #tpu.memory_space<hbm>>) dst(%arg13 : memref<128x128xf32, #tpu.memory_space<vmem>>)
      tpu.yield
    }) : () -> ()
    "tpu.region"() ({
      %run_scoped3A = tpu.sem_alloc : memref<!tpu.dma_semaphore, #tpu.memory_space<semaphore_mem>>
      %dma_start3A_124 = arith.constant 0 : i32
      %dma_start3A_125 = tpu.memref_slice %arg6[%dma_start3A_124] : memref<10240xf32, #tpu.memory_space<hbm>> -> memref<640xf32, #tpu.memory_space<hbm>>
      %dma_start3A_126 = arith.constant 0 : i32
      %dma_start3A_127 = tpu.memref_slice %arg6[%dma_start3A_126] : memref<10240xf32, #tpu.memory_space<hbm>> -> memref<640xf32, #tpu.memory_space<hbm>>
      tpu.enqueue_dma source(%dma_start3A_127 : memref<640xf32, #tpu.memory_space<hbm>>) target(%arg16 : memref<640xf32, #tpu.memory_space<vmem>>) target_semaphore(%run_scoped3A : memref<!tpu.dma_semaphore, #tpu.memory_space<semaphore_mem>>)
      %dma_wait3A_128 = arith.constant 0 : i32
      %dma_wait3A_129 = tpu.memref_slice %arg6[%dma_wait3A_128] : memref<10240xf32, #tpu.memory_space<hbm>> -> memref<640xf32, #tpu.memory_space<hbm>>
      %dma_wait3A_130 = arith.constant 0 : i32
      %dma_wait3A_131 = tpu.memref_slice %arg6[%dma_wait3A_130] : memref<10240xf32, #tpu.memory_space<hbm>> -> memref<640xf32, #tpu.memory_space<hbm>>
      tpu.wait_dma2 semaphore(%run_scoped3A : memref<!tpu.dma_semaphore, #tpu.memory_space<semaphore_mem>>) src(%dma_wait3A_131 : memref<640xf32, #tpu.memory_space<hbm>>) dst(%arg16 : memref<640xf32, #tpu.memory_space<vmem>>)
      tpu.yield
    }) : () -> ()
    %add3A_29 = arith.constant 0 : i32
    %add3A_30 = arith.addi %mul3A_0, %add3A_29 : i32
    "tpu.region"() ({
      %run_scoped3A = tpu.sem_alloc : memref<!tpu.dma_semaphore, #tpu.memory_space<semaphore_mem>>
      %dma_start3A_124 = arith.constant 0 : i32
      %dma_start3A_125 = tpu.memref_slice %arg17[%add3A_30, %dma_start3A_124] : memref<10240x128xf32, #tpu.memory_space<vmem_shared>> -> memref<128x128xf32, #tpu.memory_space<vmem_shared>>
      %dma_start3A_126 = arith.constant 0 : i32
      %dma_start3A_127 = tpu.memref_slice %arg17[%add3A_30, %dma_start3A_126] : memref<10240x128xf32, #tpu.memory_space<vmem_shared>> -> memref<128x128xf32, #tpu.memory_space<vmem_shared>>
      tpu.enqueue_dma source(%arg13 : memref<128x128xf32, #tpu.memory_space<vmem>>) target(%dma_start3A_127 : memref<128x128xf32, #tpu.memory_space<vmem_shared>>) target_semaphore(%run_scoped3A : memref<!tpu.dma_semaphore, #tpu.memory_space<semaphore_mem>>)
      %dma_wait3A_128 = arith.constant 0 : i32
      %dma_wait3A_129 = tpu.memref_slice %arg17[%add3A_30, %dma_wait3A_128] : memref<10240x128xf32, #tpu.memory_space<vmem_shared>> -> memref<128x128xf32, #tpu.memory_space<vmem_shared>>
      %dma_wait3A_130 = arith.constant 0 : i32
      %dma_wait3A_131 = tpu.memref_slice %arg17[%add3A_30, %dma_wait3A_130] : memref<10240x128xf32, #tpu.memory_space<vmem_shared>> -> memref<128x128xf32, #tpu.memory_space<vmem_shared>>
      tpu.wait_dma2 semaphore(%run_scoped3A : memref<!tpu.dma_semaphore, #tpu.memory_space<semaphore_mem>>) src(%arg13 : memref<128x128xf32, #tpu.memory_space<vmem>>) dst(%dma_wait3A_131 : memref<128x128xf32, #tpu.memory_space<vmem_shared>>)
      tpu.yield
    }) : () -> ()
    %add3A_31 = arith.constant 128 : i32
    %add3A_32 = arith.addi %mul3A_0, %add3A_31 : i32
    "tpu.region"() ({
      %run_scoped3A = tpu.sem_alloc : memref<!tpu.dma_semaphore, #tpu.memory_space<semaphore_mem>>
      %dma_start3A_124 = arith.constant 0 : i32
      %dma_start3A_125 = tpu.memref_slice %arg17[%add3A_32, %dma_start3A_124] : memref<10240x128xf32, #tpu.memory_space<vmem_shared>> -> memref<128x128xf32, #tpu.memory_space<vmem_shared>>
      %dma_start3A_126 = arith.constant 0 : i32
      %dma_start3A_127 = tpu.memref_slice %arg17[%add3A_32, %dma_start3A_126] : memref<10240x128xf32, #tpu.memory_space<vmem_shared>> -> memref<128x128xf32, #tpu.memory_space<vmem_shared>>
      tpu.enqueue_dma source(%arg13 : memref<128x128xf32, #tpu.memory_space<vmem>>) target(%dma_start3A_127 : memref<128x128xf32, #tpu.memory_space<vmem_shared>>) target_semaphore(%run_scoped3A : memref<!tpu.dma_semaphore, #tpu.memory_space<semaphore_mem>>)
      %dma_wait3A_128 = arith.constant 0 : i32
      %dma_wait3A_129 = tpu.memref_slice %arg17[%add3A_32, %dma_wait3A_128] : memref<10240x128xf32, #tpu.memory_space<vmem_shared>> -> memref<128x128xf32, #tpu.memory_space<vmem_shared>>
      %dma_wait3A_130 = arith.constant 0 : i32
      %dma_wait3A_131 = tpu.memref_slice %arg17[%add3A_32, %dma_wait3A_130] : memref<10240x128xf32, #tpu.memory_space<vmem_shared>> -> memref<128x128xf32, #tpu.memory_space<vmem_shared>>
      tpu.wait_dma2 semaphore(%run_scoped3A : memref<!tpu.dma_semaphore, #tpu.memory_space<semaphore_mem>>) src(%arg13 : memref<128x128xf32, #tpu.memory_space<vmem>>) dst(%dma_wait3A_131 : memref<128x128xf32, #tpu.memory_space<vmem_shared>>)
      tpu.yield
    }) : () -> ()
    %add3A_33 = arith.constant 256 : i32
    %add3A_34 = arith.addi %mul3A_0, %add3A_33 : i32
    "tpu.region"() ({
      %run_scoped3A = tpu.sem_alloc : memref<!tpu.dma_semaphore, #tpu.memory_space<semaphore_mem>>
      %dma_start3A_124 = arith.constant 0 : i32
      %dma_start3A_125 = tpu.memref_slice %arg17[%add3A_34, %dma_start3A_124] : memref<10240x128xf32, #tpu.memory_space<vmem_shared>> -> memref<128x128xf32, #tpu.memory_space<vmem_shared>>
      %dma_start3A_126 = arith.constant 0 : i32
      %dma_start3A_127 = tpu.memref_slice %arg17[%add3A_34, %dma_start3A_126] : memref<10240x128xf32, #tpu.memory_space<vmem_shared>> -> memref<128x128xf32, #tpu.memory_space<vmem_shared>>
      tpu.enqueue_dma source(%arg13 : memref<128x128xf32, #tpu.memory_space<vmem>>) target(%dma_start3A_127 : memref<128x128xf32, #tpu.memory_space<vmem_shared>>) target_semaphore(%run_scoped3A : memref<!tpu.dma_semaphore, #tpu.memory_space<semaphore_mem>>)
      %dma_wait3A_128 = arith.constant 0 : i32
      %dma_wait3A_129 = tpu.memref_slice %arg17[%add3A_34, %dma_wait3A_128] : memref<10240x128xf32, #tpu.memory_space<vmem_shared>> -> memref<128x128xf32, #tpu.memory_space<vmem_shared>>
      %dma_wait3A_130 = arith.constant 0 : i32
      %dma_wait3A_131 = tpu.memref_slice %arg17[%add3A_34, %dma_wait3A_130] : memref<10240x128xf32, #tpu.memory_space<vmem_shared>> -> memref<128x128xf32, #tpu.memory_space<vmem_shared>>
      tpu.wait_dma2 semaphore(%run_scoped3A : memref<!tpu.dma_semaphore, #tpu.memory_space<semaphore_mem>>) src(%arg13 : memref<128x128xf32, #tpu.memory_space<vmem>>) dst(%dma_wait3A_131 : memref<128x128xf32, #tpu.memory_space<vmem_shared>>)
      tpu.yield
    }) : () -> ()
    %add3A_35 = arith.constant 384 : i32
    %add3A_36 = arith.addi %mul3A_0, %add3A_35 : i32
    "tpu.region"() ({
      %run_scoped3A = tpu.sem_alloc : memref<!tpu.dma_semaphore, #tpu.memory_space<semaphore_mem>>
      %dma_start3A_124 = arith.constant 0 : i32
      %dma_start3A_125 = tpu.memref_slice %arg17[%add3A_36, %dma_start3A_124] : memref<10240x128xf32, #tpu.memory_space<vmem_shared>> -> memref<128x128xf32, #tpu.memory_space<vmem_shared>>
      %dma_start3A_126 = arith.constant 0 : i32
      %dma_start3A_127 = tpu.memref_slice %arg17[%add3A_36, %dma_start3A_126] : memref<10240x128xf32, #tpu.memory_space<vmem_shared>> -> memref<128x128xf32, #tpu.memory_space<vmem_shared>>
      tpu.enqueue_dma source(%arg13 : memref<128x128xf32, #tpu.memory_space<vmem>>) target(%dma_start3A_127 : memref<128x128xf32, #tpu.memory_space<vmem_shared>>) target_semaphore(%run_scoped3A : memref<!tpu.dma_semaphore, #tpu.memory_space<semaphore_mem>>)
      %dma_wait3A_128 = arith.constant 0 : i32
      %dma_wait3A_129 = tpu.memref_slice %arg17[%add3A_36, %dma_wait3A_128] : memref<10240x128xf32, #tpu.memory_space<vmem_shared>> -> memref<128x128xf32, #tpu.memory_space<vmem_shared>>
      %dma_wait3A_130 = arith.constant 0 : i32
      %dma_wait3A_131 = tpu.memref_slice %arg17[%add3A_36, %dma_wait3A_130] : memref<10240x128xf32, #tpu.memory_space<vmem_shared>> -> memref<128x128xf32, #tpu.memory_space<vmem_shared>>
      tpu.wait_dma2 semaphore(%run_scoped3A : memref<!tpu.dma_semaphore, #tpu.memory_space<semaphore_mem>>) src(%arg13 : memref<128x128xf32, #tpu.memory_space<vmem>>) dst(%dma_wait3A_131 : memref<128x128xf32, #tpu.memory_space<vmem_shared>>)
      tpu.yield
    }) : () -> ()
    %add3A_37 = arith.constant 512 : i32
    %add3A_38 = arith.addi %mul3A_0, %add3A_37 : i32
    "tpu.region"() ({
      %run_scoped3A = tpu.sem_alloc : memref<!tpu.dma_semaphore, #tpu.memory_space<semaphore_mem>>
      %dma_start3A_124 = arith.constant 0 : i32
      %dma_start3A_125 = tpu.memref_slice %arg17[%add3A_38, %dma_start3A_124] : memref<10240x128xf32, #tpu.memory_space<vmem_shared>> -> memref<128x128xf32, #tpu.memory_space<vmem_shared>>
      %dma_start3A_126 = arith.constant 0 : i32
      %dma_start3A_127 = tpu.memref_slice %arg17[%add3A_38, %dma_start3A_126] : memref<10240x128xf32, #tpu.memory_space<vmem_shared>> -> memref<128x128xf32, #tpu.memory_space<vmem_shared>>
      tpu.enqueue_dma source(%arg13 : memref<128x128xf32, #tpu.memory_space<vmem>>) target(%dma_start3A_127 : memref<128x128xf32, #tpu.memory_space<vmem_shared>>) target_semaphore(%run_scoped3A : memref<!tpu.dma_semaphore, #tpu.memory_space<semaphore_mem>>)
      %dma_wait3A_128 = arith.constant 0 : i32
      %dma_wait3A_129 = tpu.memref_slice %arg17[%add3A_38, %dma_wait3A_128] : memref<10240x128xf32, #tpu.memory_space<vmem_shared>> -> memref<128x128xf32, #tpu.memory_space<vmem_shared>>
      %dma_wait3A_130 = arith.constant 0 : i32
      %dma_wait3A_131 = tpu.memref_slice %arg17[%add3A_38, %dma_wait3A_130] : memref<10240x128xf32, #tpu.memory_space<vmem_shared>> -> memref<128x128xf32, #tpu.memory_space<vmem_shared>>
      tpu.wait_dma2 semaphore(%run_scoped3A : memref<!tpu.dma_semaphore, #tpu.memory_space<semaphore_mem>>) src(%arg13 : memref<128x128xf32, #tpu.memory_space<vmem>>) dst(%dma_wait3A_131 : memref<128x128xf32, #tpu.memory_space<vmem_shared>>)
      tpu.yield
    }) : () -> ()
    "tpu.region"() ({
      %run_scoped3A = tpu.sem_alloc : memref<!tpu.dma_semaphore, #tpu.memory_space<semaphore_mem>>
      %dma_start3A_124 = tpu.memref_slice %arg18[%mul3A_0] : memref<10240xf32, #tpu.memory_space<vmem_shared>> -> memref<640xf32, #tpu.memory_space<vmem_shared>>
      %dma_start3A_125 = tpu.memref_slice %arg18[%mul3A_0] : memref<10240xf32, #tpu.memory_space<vmem_shared>> -> memref<640xf32, #tpu.memory_space<vmem_shared>>
      tpu.enqueue_dma source(%arg16 : memref<640xf32, #tpu.memory_space<vmem>>) target(%dma_start3A_125 : memref<640xf32, #tpu.memory_space<vmem_shared>>) target_semaphore(%run_scoped3A : memref<!tpu.dma_semaphore, #tpu.memory_space<semaphore_mem>>)
      %dma_wait3A_126 = tpu.memref_slice %arg18[%mul3A_0] : memref<10240xf32, #tpu.memory_space<vmem_shared>> -> memref<640xf32, #tpu.memory_space<vmem_shared>>
      %dma_wait3A_127 = tpu.memref_slice %arg18[%mul3A_0] : memref<10240xf32, #tpu.memory_space<vmem_shared>> -> memref<640xf32, #tpu.memory_space<vmem_shared>>
      tpu.wait_dma2 semaphore(%run_scoped3A : memref<!tpu.dma_semaphore, #tpu.memory_space<semaphore_mem>>) src(%arg16 : memref<640xf32, #tpu.memory_space<vmem>>) dst(%dma_wait3A_127 : memref<640xf32, #tpu.memory_space<vmem_shared>>)
      tpu.yield
    }) : () -> ()
    %broadcast_in_dim3A = arith.constant 1.000000e+00 : f32
    %broadcast_in_dim3A_39 = vector.broadcast %broadcast_in_dim3A : f32 to vector<16xf32>
    %swap3A = arith.constant 0 : index
    %swap3A_40 = tpu.vector_load %arg15[%swap3A] {strides = array<i32>} : memref<128xf32, #tpu.memory_space<vmem>>, vector<16xf32>,
    %swap3A_41 = vector.shape_cast %swap3A_40 : vector<16xf32> to vector<16xf32>
    %swap3A_42 = vector.shape_cast %broadcast_in_dim3A_39 : vector<16xf32> to vector<16xf32>
    tpu.vector_store %arg15[%swap3A], %swap3A_42 {strides = array<i32>} : memref<128xf32, #tpu.memory_space<vmem>>, vector<16xf32>,
    %broadcast_in_dim3A_43 = arith.constant 1.000000e+00 : f32
    %broadcast_in_dim3A_44 = vector.broadcast %broadcast_in_dim3A_43 : f32 to vector<16xf32>
    %swap3A_45 = arith.constant 16 : index
    %swap3A_46 = tpu.vector_load %arg15[%swap3A_45] {strides = array<i32>} : memref<128xf32, #tpu.memory_space<vmem>>, vector<16xf32>,
    %swap3A_47 = vector.shape_cast %swap3A_46 : vector<16xf32> to vector<16xf32>
    %swap3A_48 = vector.shape_cast %broadcast_in_dim3A_44 : vector<16xf32> to vector<16xf32>
    tpu.vector_store %arg15[%swap3A_45], %swap3A_48 {strides = array<i32>} : memref<128xf32, #tpu.memory_space<vmem>>, vector<16xf32>,
    %broadcast_in_dim3A_49 = arith.constant 1.000000e+00 : f32
    %broadcast_in_dim3A_50 = vector.broadcast %broadcast_in_dim3A_49 : f32 to vector<16xf32>
    %swap3A_51 = arith.constant 32 : index
    %swap3A_52 = tpu.vector_load %arg15[%swap3A_51] {strides = array<i32>} : memref<128xf32, #tpu.memory_space<vmem>>, vector<16xf32>,
    %swap3A_53 = vector.shape_cast %swap3A_52 : vector<16xf32> to vector<16xf32>
    %swap3A_54 = vector.shape_cast %broadcast_in_dim3A_50 : vector<16xf32> to vector<16xf32>
    tpu.vector_store %arg15[%swap3A_51], %swap3A_54 {strides = array<i32>} : memref<128xf32, #tpu.memory_space<vmem>>, vector<16xf32>,
    %broadcast_in_dim3A_55 = arith.constant 1.000000e+00 : f32
    %broadcast_in_dim3A_56 = vector.broadcast %broadcast_in_dim3A_55 : f32 to vector<16xf32>
    %swap3A_57 = arith.constant 48 : index
    %swap3A_58 = tpu.vector_load %arg15[%swap3A_57] {strides = array<i32>} : memref<128xf32, #tpu.memory_space<vmem>>, vector<16xf32>,
    %swap3A_59 = vector.shape_cast %swap3A_58 : vector<16xf32> to vector<16xf32>
    %swap3A_60 = vector.shape_cast %broadcast_in_dim3A_56 : vector<16xf32> to vector<16xf32>
    tpu.vector_store %arg15[%swap3A_57], %swap3A_60 {strides = array<i32>} : memref<128xf32, #tpu.memory_space<vmem>>, vector<16xf32>,
    %broadcast_in_dim3A_61 = arith.constant 1.000000e+00 : f32
    %broadcast_in_dim3A_62 = vector.broadcast %broadcast_in_dim3A_61 : f32 to vector<16xf32>
    %swap3A_63 = arith.constant 64 : index
    %swap3A_64 = tpu.vector_load %arg15[%swap3A_63] {strides = array<i32>} : memref<128xf32, #tpu.memory_space<vmem>>, vector<16xf32>,
    %swap3A_65 = vector.shape_cast %swap3A_64 : vector<16xf32> to vector<16xf32>
    %swap3A_66 = vector.shape_cast %broadcast_in_dim3A_62 : vector<16xf32> to vector<16xf32>
    tpu.vector_store %arg15[%swap3A_63], %swap3A_66 {strides = array<i32>} : memref<128xf32, #tpu.memory_space<vmem>>, vector<16xf32>,
    %broadcast_in_dim3A_67 = arith.constant 1.000000e+00 : f32
    %broadcast_in_dim3A_68 = vector.broadcast %broadcast_in_dim3A_67 : f32 to vector<16xf32>
    %swap3A_69 = arith.constant 80 : index
    %swap3A_70 = tpu.vector_load %arg15[%swap3A_69] {strides = array<i32>} : memref<128xf32, #tpu.memory_space<vmem>>, vector<16xf32>,
    %swap3A_71 = vector.shape_cast %swap3A_70 : vector<16xf32> to vector<16xf32>
    %swap3A_72 = vector.shape_cast %broadcast_in_dim3A_68 : vector<16xf32> to vector<16xf32>
    tpu.vector_store %arg15[%swap3A_69], %swap3A_72 {strides = array<i32>} : memref<128xf32, #tpu.memory_space<vmem>>, vector<16xf32>,
    %broadcast_in_dim3A_73 = arith.constant 1.000000e+00 : f32
    %broadcast_in_dim3A_74 = vector.broadcast %broadcast_in_dim3A_73 : f32 to vector<16xf32>
    %swap3A_75 = arith.constant 96 : index
    %swap3A_76 = tpu.vector_load %arg15[%swap3A_75] {strides = array<i32>} : memref<128xf32, #tpu.memory_space<vmem>>, vector<16xf32>,
    %swap3A_77 = vector.shape_cast %swap3A_76 : vector<16xf32> to vector<16xf32>
    %swap3A_78 = vector.shape_cast %broadcast_in_dim3A_74 : vector<16xf32> to vector<16xf32>
    tpu.vector_store %arg15[%swap3A_75], %swap3A_78 {strides = array<i32>} : memref<128xf32, #tpu.memory_space<vmem>>, vector<16xf32>,
    %broadcast_in_dim3A_79 = arith.constant 1.000000e+00 : f32
    %broadcast_in_dim3A_80 = vector.broadcast %broadcast_in_dim3A_79 : f32 to vector<16xf32>
    %swap3A_81 = arith.constant 112 : index
    %swap3A_82 = tpu.vector_load %arg15[%swap3A_81] {strides = array<i32>} : memref<128xf32, #tpu.memory_space<vmem>>, vector<16xf32>,
    %swap3A_83 = vector.shape_cast %swap3A_82 : vector<16xf32> to vector<16xf32>
    %swap3A_84 = vector.shape_cast %broadcast_in_dim3A_80 : vector<16xf32> to vector<16xf32>
    tpu.vector_store %arg15[%swap3A_81], %swap3A_84 {strides = array<i32>} : memref<128xf32, #tpu.memory_space<vmem>>, vector<16xf32>,
    "tpu.region"() ({
      %run_scoped3A = tpu.sem_alloc : memref<!tpu.dma_semaphore, #tpu.memory_space<semaphore_mem>>
      %dma_start3A_124 = arith.constant 0 : i32
      %dma_start3A_125 = arith.constant 0 : i32
      %dma_start3A_126 = tpu.memref_slice %arg2[%select_n3A_28, %dma_start3A_124, %dma_start3A_125] : memref<2576x1x128xi32, #tpu.memory_space<hbm>> -> memref<16x1x128xi32, #tpu.memory_space<hbm>>
      %dma_start3A_127 = arith.constant 0 : i32
      %dma_start3A_128 = arith.constant 0 : i32
      %dma_start3A_129 = tpu.memref_slice %arg2[%select_n3A_28, %dma_start3A_127, %dma_start3A_128] : memref<2576x1x128xi32, #tpu.memory_space<hbm>> -> memref<16x1x128xi32, #tpu.memory_space<hbm>>
      tpu.enqueue_dma source(%dma_start3A_129 : memref<16x1x128xi32, #tpu.memory_space<hbm>>) target(%arg11 : memref<16x1x128xi32, #tpu.memory_space<vmem>>) target_semaphore(%run_scoped3A : memref<!tpu.dma_semaphore, #tpu.memory_space<semaphore_mem>>)
      %dma_wait3A_130 = arith.constant 0 : i32
      %dma_wait3A_131 = arith.constant 0 : i32
      %dma_wait3A_132 = tpu.memref_slice %arg2[%select_n3A_28, %dma_wait3A_130, %dma_wait3A_131] : memref<2576x1x128xi32, #tpu.memory_space<hbm>> -> memref<16x1x128xi32, #tpu.memory_space<hbm>>
      %dma_wait3A_133 = arith.constant 0 : i32
      %dma_wait3A_134 = arith.constant 0 : i32
      %dma_wait3A_135 = tpu.memref_slice %arg2[%select_n3A_28, %dma_wait3A_133, %dma_wait3A_134] : memref<2576x1x128xi32, #tpu.memory_space<hbm>> -> memref<16x1x128xi32, #tpu.memory_space<hbm>>
      tpu.wait_dma2 semaphore(%run_scoped3A : memref<!tpu.dma_semaphore, #tpu.memory_space<semaphore_mem>>) src(%dma_wait3A_135 : memref<16x1x128xi32, #tpu.memory_space<hbm>>) dst(%arg11 : memref<16x1x128xi32, #tpu.memory_space<vmem>>)
      tpu.yield
    }) : () -> ()
    "tpu.region"() ({
      %run_scoped3A = tpu.sem_alloc : memref<!tpu.dma_semaphore, #tpu.memory_space<semaphore_mem>>
      %dma_start3A_124 = arith.constant 0 : i32
      %dma_start3A_125 = arith.constant 0 : i32
      %dma_start3A_126 = tpu.memref_slice %arg3[%select_n3A_28, %dma_start3A_124, %dma_start3A_125] : memref<2576x1x128xi32, #tpu.memory_space<hbm>> -> memref<16x1x128xi32, #tpu.memory_space<hbm>>
      %dma_start3A_127 = arith.constant 0 : i32
      %dma_start3A_128 = arith.constant 0 : i32
      %dma_start3A_129 = tpu.memref_slice %arg3[%select_n3A_28, %dma_start3A_127, %dma_start3A_128] : memref<2576x1x128xi32, #tpu.memory_space<hbm>> -> memref<16x1x128xi32, #tpu.memory_space<hbm>>
      tpu.enqueue_dma source(%dma_start3A_129 : memref<16x1x128xi32, #tpu.memory_space<hbm>>) target(%arg12 : memref<16x1x128xi32, #tpu.memory_space<vmem>>) target_semaphore(%run_scoped3A : memref<!tpu.dma_semaphore, #tpu.memory_space<semaphore_mem>>)
      %dma_wait3A_130 = arith.constant 0 : i32
      %dma_wait3A_131 = arith.constant 0 : i32
      %dma_wait3A_132 = tpu.memref_slice %arg3[%select_n3A_28, %dma_wait3A_130, %dma_wait3A_131] : memref<2576x1x128xi32, #tpu.memory_space<hbm>> -> memref<16x1x128xi32, #tpu.memory_space<hbm>>
      %dma_wait3A_133 = arith.constant 0 : i32
      %dma_wait3A_134 = arith.constant 0 : i32
      %dma_wait3A_135 = tpu.memref_slice %arg3[%select_n3A_28, %dma_wait3A_133, %dma_wait3A_134] : memref<2576x1x128xi32, #tpu.memory_space<hbm>> -> memref<16x1x128xi32, #tpu.memory_space<hbm>>
      tpu.wait_dma2 semaphore(%run_scoped3A : memref<!tpu.dma_semaphore, #tpu.memory_space<semaphore_mem>>) src(%dma_wait3A_135 : memref<16x1x128xi32, #tpu.memory_space<hbm>>) dst(%arg12 : memref<16x1x128xi32, #tpu.memory_space<vmem>>)
      tpu.yield
    }) : () -> ()
    %barrier3A = arith.constant 0 : index
    tpu.barrier barrier_id(%barrier3A)
    %dma_start3A = arith.constant 0 : i32
    %dma_start3A_85 = arith.constant 0 : i32
    %dma_start3A_86 = arith.constant 0 : i32
    %dma_start3A_87 = tpu.memref_slice %arg11[%dma_start3A, %dma_start3A_85, %dma_start3A_86] : memref<16x1x128xi32, #tpu.memory_space<vmem>> -> memref<1x1x128xi32, #tpu.memory_space<vmem>>
    %dma_start3A_88 = tpu.memref_squeeze %dma_start3A_87 : memref<1x1x128xi32, #tpu.memory_space<vmem>> -> memref<128xi32, #tpu.memory_space<vmem>>
    %dma_start3A_89 = arith.constant 0 : i32
    %dma_start3A_90 = arith.constant 0 : i32
    %dma_start3A_91 = tpu.memref_slice %arg4[%dma_start3A_89, %dma_start3A_90] : memref<10240x128xf32, #tpu.memory_space<hbm>> -> memref<10240x128xf32, #tpu.memory_space<hbm>>
    tpu.enqueue_indirect_dma source(%dma_start3A_91 : memref<10240x128xf32, #tpu.memory_space<hbm>>) target(%arg13 : memref<128x128xf32, #tpu.memory_space<vmem>>) offsets(%dma_start3A_88 : memref<128xi32, #tpu.memory_space<vmem>>) semaphore(%arg19 : memref<!tpu.dma_semaphore, #tpu.memory_space<semaphore_mem>>)
    %dma_start3A_92 = arith.constant 1 : i32
    %dma_start3A_93 = arith.constant 0 : i32
    %dma_start3A_94 = arith.constant 0 : i32
    %dma_start3A_95 = tpu.memref_slice %arg11[%dma_start3A_92, %dma_start3A_93, %dma_start3A_94] : memref<16x1x128xi32, #tpu.memory_space<vmem>> -> memref<1x1x128xi32, #tpu.memory_space<vmem>>
    %dma_start3A_96 = tpu.memref_squeeze %dma_start3A_95 : memref<1x1x128xi32, #tpu.memory_space<vmem>> -> memref<128xi32, #tpu.memory_space<vmem>>
    %dma_start3A_97 = arith.constant 0 : i32
    %dma_start3A_98 = arith.constant 0 : i32
    %dma_start3A_99 = tpu.memref_slice %arg4[%dma_start3A_97, %dma_start3A_98] : memref<10240x128xf32, #tpu.memory_space<hbm>> -> memref<10240x128xf32, #tpu.memory_space<hbm>>
    tpu.enqueue_indirect_dma source(%dma_start3A_99 : memref<10240x128xf32, #tpu.memory_space<hbm>>) target(%arg14 : memref<128x128xf32, #tpu.memory_space<vmem>>) offsets(%dma_start3A_96 : memref<128xi32, #tpu.memory_space<vmem>>) semaphore(%arg20 : memref<!tpu.dma_semaphore, #tpu.memory_space<semaphore_mem>>)
    %while3A = arith.constant 0 : i32
    %while3A_100 = arith.constant 0 : i32
    %while3A_101 = arith.subi %select_n3A_20, %while3A_100 : i32
    %while3A_102 = arith.addi %while3A_100, %while3A_101 : i32
    %while3A_103 = arith.constant 1 : i32
    %while3A_104 = arith.divsi %while3A_101, %while3A_103 : i32
    %while3A_105 = arith.muli %while3A_104, %while3A_103 : i32
    %while3A_106 = arith.addi %while3A_100, %while3A_105 : i32
    %while3A_107 = arith.constant 1 : i32
    scf.for %while3A_124 = %while3A_100 to %while3A_106 step %while3A_107  : i32 {
      %mul3A_125 = arith.constant 2 : i32
      %mul3A_126 = arith.muli %while3A_124, %mul3A_125 : i32
      %add3A_127 = arith.constant 0 : i32
      %add3A_128 = arith.addi %mul3A_126, %add3A_127 : i32
      %rem3A_129 = arith.constant 16 : i32
      %rem3A_130 = arith.remsi %add3A_128, %rem3A_129 : i32
      %gt3A = arith.constant 0 : i32
      %gt3A_131 = arith.cmpi sgt, %while3A_124, %gt3A : i32
      %convert_element_type3A_132 = arith.extui %gt3A_131 : i1 to i32
      %cond3A_133 = arith.constant 0 : i32
      %cond3A_134 = arith.constant 0 : i32
      %cond3A_135 = arith.cmpi ne, %convert_element_type3A_132, %cond3A_134 : i32
      scf.if %cond3A_135 {
        %dma_wait3A_205 = arith.constant 0 : i32
        %dma_wait3A_206 = tpu.memref_slice %arg12[%rem3A_130, %cond3A_133, %dma_wait3A_205] : memref<16x1x128xi32, #tpu.memory_space<vmem>> -> memref<1x1x128xi32, #tpu.memory_space<vmem>>
        %dma_wait3A_207 = tpu.memref_squeeze %dma_wait3A_206 : memref<1x1x128xi32, #tpu.memory_space<vmem>> -> memref<128xi32, #tpu.memory_space<vmem>>
        %dma_wait3A_208 = arith.constant 0 : i32
        %dma_wait3A_209 = tpu.memref_slice %arg18[%dma_wait3A_208] : memref<10240xf32, #tpu.memory_space<vmem_shared>> -> memref<10240xf32, #tpu.memory_space<vmem_shared>>
        tpu.wait_indirect_dma semaphore(%arg21 : memref<!tpu.dma_semaphore, #tpu.memory_space<semaphore_mem>>) src(%arg15 : memref<128xf32, #tpu.memory_space<vmem>>) dst(%dma_wait3A_209 : memref<10240xf32, #tpu.memory_space<vmem_shared>>)
      } else {
      }
      %rem3A_136 = arith.constant 8 : i32
      %rem3A_137 = arith.remsi %while3A_124, %rem3A_136 : i32
      %eq3A_138 = arith.constant 0 : i32
      %eq3A_139 = arith.cmpi eq, %rem3A_137, %eq3A_138 : i32
      %gt3A_140 = arith.constant 0 : i32
      %gt3A_141 = arith.cmpi sgt, %while3A_124, %gt3A_140 : i32
      %and3A_142 = arith.andi %eq3A_139, %gt3A_141 : i1
      %convert_element_type3A_143 = arith.extui %and3A_142 : i1 to i32
      %cond3A_144 = arith.constant 0 : i32
      %cond3A_145 = arith.cmpi ne, %convert_element_type3A_143, %cond3A_144 : i32
      scf.if %cond3A_145 {
        %add3A_205 = arith.addi %select_n3A_28, %add3A_128 : i32
        "tpu.region"() ({
          %run_scoped3A_206 = tpu.sem_alloc : memref<!tpu.dma_semaphore, #tpu.memory_space<semaphore_mem>>
          %dma_start3A_207 = arith.constant 0 : i32
          %dma_start3A_208 = arith.constant 0 : i32
          %dma_start3A_209 = tpu.memref_slice %arg3[%add3A_205, %dma_start3A_207, %dma_start3A_208] : memref<2576x1x128xi32, #tpu.memory_space<hbm>> -> memref<16x1x128xi32, #tpu.memory_space<hbm>>
          %dma_start3A_210 = arith.constant 0 : i32
          %dma_start3A_211 = arith.constant 0 : i32
          %dma_start3A_212 = tpu.memref_slice %arg3[%add3A_205, %dma_start3A_210, %dma_start3A_211] : memref<2576x1x128xi32, #tpu.memory_space<hbm>> -> memref<16x1x128xi32, #tpu.memory_space<hbm>>
          tpu.enqueue_dma source(%dma_start3A_212 : memref<16x1x128xi32, #tpu.memory_space<hbm>>) target(%arg12 : memref<16x1x128xi32, #tpu.memory_space<vmem>>) target_semaphore(%run_scoped3A_206 : memref<!tpu.dma_semaphore, #tpu.memory_space<semaphore_mem>>)
          %dma_wait3A_213 = arith.constant 0 : i32
          %dma_wait3A_214 = arith.constant 0 : i32
          %dma_wait3A_215 = tpu.memref_slice %arg3[%add3A_205, %dma_wait3A_213, %dma_wait3A_214] : memref<2576x1x128xi32, #tpu.memory_space<hbm>> -> memref<16x1x128xi32, #tpu.memory_space<hbm>>
          %dma_wait3A_216 = arith.constant 0 : i32
          %dma_wait3A_217 = arith.constant 0 : i32
          %dma_wait3A_218 = tpu.memref_slice %arg3[%add3A_205, %dma_wait3A_216, %dma_wait3A_217] : memref<2576x1x128xi32, #tpu.memory_space<hbm>> -> memref<16x1x128xi32, #tpu.memory_space<hbm>>
          tpu.wait_dma2 semaphore(%run_scoped3A_206 : memref<!tpu.dma_semaphore, #tpu.memory_space<semaphore_mem>>) src(%dma_wait3A_218 : memref<16x1x128xi32, #tpu.memory_space<hbm>>) dst(%arg12 : memref<16x1x128xi32, #tpu.memory_space<vmem>>)
          tpu.yield
        }) : () -> ()
      } else {
      }
      %dma_wait3A_146 = arith.constant 0 : i32
      %dma_wait3A_147 = arith.constant 0 : i32
      %dma_wait3A_148 = tpu.memref_slice %arg4[%dma_wait3A_146, %dma_wait3A_147] : memref<10240x128xf32, #tpu.memory_space<hbm>> -> memref<128x128xf32, #tpu.memory_space<hbm>>
      %dma_wait3A_149 = arith.constant 0 : i32
      %dma_wait3A_150 = arith.constant 0 : i32
      %dma_wait3A_151 = tpu.memref_slice %arg4[%dma_wait3A_149, %dma_wait3A_150] : memref<10240x128xf32, #tpu.memory_space<hbm>> -> memref<128x128xf32, #tpu.memory_space<hbm>>
      tpu.wait_dma2 semaphore(%arg19 : memref<!tpu.dma_semaphore, #tpu.memory_space<semaphore_mem>>) src(%dma_wait3A_151 : memref<128x128xf32, #tpu.memory_space<hbm>>) dst(%arg13 : memref<128x128xf32, #tpu.memory_space<vmem>>)
      %run_scoped3A = arith.constant 0 : i32
      "tpu.region"() ({
        %run_scoped3A_205 = tpu.sem_alloc : memref<!tpu.dma_semaphore, #tpu.memory_space<semaphore_mem>>
        %dma_start3A_206 = arith.constant 0 : i32
        %dma_start3A_207 = tpu.memref_slice %arg12[%rem3A_130, %run_scoped3A, %dma_start3A_206] : memref<16x1x128xi32, #tpu.memory_space<vmem>> -> memref<1x1x128xi32, #tpu.memory_space<vmem>>
        %dma_start3A_208 = tpu.memref_squeeze %dma_start3A_207 : memref<1x1x128xi32, #tpu.memory_space<vmem>> -> memref<128xi32, #tpu.memory_space<vmem>>
        %dma_start3A_209 = arith.constant 0 : i32
        %dma_start3A_210 = arith.constant 0 : i32
        %dma_start3A_211 = tpu.memref_slice %arg17[%dma_start3A_209, %dma_start3A_210] : memref<10240x128xf32, #tpu.memory_space<vmem_shared>> -> memref<10240x128xf32, #tpu.memory_space<vmem_shared>>
        tpu.enqueue_indirect_dma source(%arg13 : memref<128x128xf32, #tpu.memory_space<vmem>>) target(%dma_start3A_211 : memref<10240x128xf32, #tpu.memory_space<vmem_shared>>) offsets(%dma_start3A_208 : memref<128xi32, #tpu.memory_space<vmem>>) semaphore(%run_scoped3A_205 : memref<!tpu.dma_semaphore, #tpu.memory_space<semaphore_mem>>) {add = true}
        %dma_wait3A_212 = arith.constant 0 : i32
        %dma_wait3A_213 = tpu.memref_slice %arg12[%rem3A_130, %run_scoped3A, %dma_wait3A_212] : memref<16x1x128xi32, #tpu.memory_space<vmem>> -> memref<1x1x128xi32, #tpu.memory_space<vmem>>
        %dma_wait3A_214 = tpu.memref_squeeze %dma_wait3A_213 : memref<1x1x128xi32, #tpu.memory_space<vmem>> -> memref<128xi32, #tpu.memory_space<vmem>>
        %dma_wait3A_215 = arith.constant 0 : i32
        %dma_wait3A_216 = arith.constant 0 : i32
        %dma_wait3A_217 = tpu.memref_slice %arg17[%dma_wait3A_215, %dma_wait3A_216] : memref<10240x128xf32, #tpu.memory_space<vmem_shared>> -> memref<10240x128xf32, #tpu.memory_space<vmem_shared>>
        tpu.wait_indirect_dma semaphore(%run_scoped3A_205 : memref<!tpu.dma_semaphore, #tpu.memory_space<semaphore_mem>>) src(%arg13 : memref<128x128xf32, #tpu.memory_space<vmem>>) dst(%dma_wait3A_217 : memref<10240x128xf32, #tpu.memory_space<vmem_shared>>)
        tpu.yield
      }) : () -> ()
      %dma_start3A_152 = arith.constant 0 : i32
      %dma_start3A_153 = arith.constant 0 : i32
      %dma_start3A_154 = tpu.memref_slice %arg12[%rem3A_130, %dma_start3A_152, %dma_start3A_153] : memref<16x1x128xi32, #tpu.memory_space<vmem>> -> memref<1x1x128xi32, #tpu.memory_space<vmem>>
      %dma_start3A_155 = tpu.memref_squeeze %dma_start3A_154 : memref<1x1x128xi32, #tpu.memory_space<vmem>> -> memref<128xi32, #tpu.memory_space<vmem>>
      %dma_start3A_156 = arith.constant 0 : i32
      %dma_start3A_157 = tpu.memref_slice %arg18[%dma_start3A_156] : memref<10240xf32, #tpu.memory_space<vmem_shared>> -> memref<10240xf32, #tpu.memory_space<vmem_shared>>
      tpu.enqueue_indirect_dma source(%arg15 : memref<128xf32, #tpu.memory_space<vmem>>) target(%dma_start3A_157 : memref<10240xf32, #tpu.memory_space<vmem_shared>>) offsets(%dma_start3A_155 : memref<128xi32, #tpu.memory_space<vmem>>) semaphore(%arg21 : memref<!tpu.dma_semaphore, #tpu.memory_space<semaphore_mem>>) {add = true}
      %rem3A_158 = arith.constant 8 : i32
      %rem3A_159 = arith.remsi %while3A_124, %rem3A_158 : i32
      %eq3A_160 = arith.constant 7 : i32
      %eq3A_161 = arith.cmpi eq, %rem3A_159, %eq3A_160 : i32
      %sub3A_162 = arith.constant 1 : i32
      %sub3A_163 = arith.subi %select_n3A_20, %sub3A_162 : i32
      %lt3A = arith.cmpi slt, %while3A_124, %sub3A_163 : i32
      %and3A_164 = arith.andi %eq3A_161, %lt3A : i1
      %convert_element_type3A_165 = arith.extui %and3A_164 : i1 to i32
      %cond3A_166 = arith.constant 0 : i32
      %cond3A_167 = arith.cmpi ne, %convert_element_type3A_165, %cond3A_166 : i32
      scf.if %cond3A_167 {
        %add3A_205 = arith.addi %select_n3A_28, %add3A_128 : i32
        %add3A_206 = arith.constant 2 : i32
        %add3A_207 = arith.addi %add3A_205, %add3A_206 : i32
        "tpu.region"() ({
          %run_scoped3A_208 = tpu.sem_alloc : memref<!tpu.dma_semaphore, #tpu.memory_space<semaphore_mem>>
          %dma_start3A_209 = arith.constant 0 : i32
          %dma_start3A_210 = arith.constant 0 : i32
          %dma_start3A_211 = tpu.memref_slice %arg2[%add3A_207, %dma_start3A_209, %dma_start3A_210] : memref<2576x1x128xi32, #tpu.memory_space<hbm>> -> memref<16x1x128xi32, #tpu.memory_space<hbm>>
          %dma_start3A_212 = arith.constant 0 : i32
          %dma_start3A_213 = arith.constant 0 : i32
          %dma_start3A_214 = tpu.memref_slice %arg2[%add3A_207, %dma_start3A_212, %dma_start3A_213] : memref<2576x1x128xi32, #tpu.memory_space<hbm>> -> memref<16x1x128xi32, #tpu.memory_space<hbm>>
          tpu.enqueue_dma source(%dma_start3A_214 : memref<16x1x128xi32, #tpu.memory_space<hbm>>) target(%arg11 : memref<16x1x128xi32, #tpu.memory_space<vmem>>) target_semaphore(%run_scoped3A_208 : memref<!tpu.dma_semaphore, #tpu.memory_space<semaphore_mem>>)
          %dma_wait3A_215 = arith.constant 0 : i32
          %dma_wait3A_216 = arith.constant 0 : i32
          %dma_wait3A_217 = tpu.memref_slice %arg2[%add3A_207, %dma_wait3A_215, %dma_wait3A_216] : memref<2576x1x128xi32, #tpu.memory_space<hbm>> -> memref<16x1x128xi32, #tpu.memory_space<hbm>>
          %dma_wait3A_218 = arith.constant 0 : i32
          %dma_wait3A_219 = arith.constant 0 : i32
          %dma_wait3A_220 = tpu.memref_slice %arg2[%add3A_207, %dma_wait3A_218, %dma_wait3A_219] : memref<2576x1x128xi32, #tpu.memory_space<hbm>> -> memref<16x1x128xi32, #tpu.memory_space<hbm>>
          tpu.wait_dma2 semaphore(%run_scoped3A_208 : memref<!tpu.dma_semaphore, #tpu.memory_space<semaphore_mem>>) src(%dma_wait3A_220 : memref<16x1x128xi32, #tpu.memory_space<hbm>>) dst(%arg11 : memref<16x1x128xi32, #tpu.memory_space<vmem>>)
          tpu.yield
        }) : () -> ()
      } else {
      }
      %add3A_168 = arith.constant 2 : i32
      %add3A_169 = arith.addi %add3A_128, %add3A_168 : i32
      %lt3A_170 = arith.cmpi slt, %add3A_169, %select_n3A_3 : i32
      %convert_element_type3A_171 = arith.extui %lt3A_170 : i1 to i32
      %cond3A_172 = arith.constant 0 : i32
      %cond3A_173 = arith.cmpi ne, %convert_element_type3A_171, %cond3A_172 : i32
      scf.if %cond3A_173 {
        %add3A_205 = arith.constant 2 : i32
        %add3A_206 = arith.addi %add3A_128, %add3A_205 : i32
        %rem3A_207 = arith.constant 16 : i32
        %rem3A_208 = arith.remsi %add3A_206, %rem3A_207 : i32
        %dma_start3A_209 = arith.constant 0 : i32
        %dma_start3A_210 = arith.constant 0 : i32
        %dma_start3A_211 = tpu.memref_slice %arg11[%rem3A_208, %dma_start3A_209, %dma_start3A_210] : memref<16x1x128xi32, #tpu.memory_space<vmem>> -> memref<1x1x128xi32, #tpu.memory_space<vmem>>
        %dma_start3A_212 = tpu.memref_squeeze %dma_start3A_211 : memref<1x1x128xi32, #tpu.memory_space<vmem>> -> memref<128xi32, #tpu.memory_space<vmem>>
        %dma_start3A_213 = arith.constant 0 : i32
        %dma_start3A_214 = arith.constant 0 : i32
        %dma_start3A_215 = tpu.memref_slice %arg4[%dma_start3A_213, %dma_start3A_214] : memref<10240x128xf32, #tpu.memory_space<hbm>> -> memref<10240x128xf32, #tpu.memory_space<hbm>>
        tpu.enqueue_indirect_dma source(%dma_start3A_215 : memref<10240x128xf32, #tpu.memory_space<hbm>>) target(%arg13 : memref<128x128xf32, #tpu.memory_space<vmem>>) offsets(%dma_start3A_212 : memref<128xi32, #tpu.memory_space<vmem>>) semaphore(%arg19 : memref<!tpu.dma_semaphore, #tpu.memory_space<semaphore_mem>>)
      } else {
      }
      %mul3A_174 = arith.constant 2 : i32
      %mul3A_175 = arith.muli %while3A_124, %mul3A_174 : i32
      %add3A_176 = arith.constant 1 : i32
      %add3A_177 = arith.addi %mul3A_175, %add3A_176 : i32
      %rem3A_178 = arith.constant 16 : i32
      %rem3A_179 = arith.remsi %add3A_177, %rem3A_178 : i32
      %dma_wait3A_180 = arith.constant 0 : i32
      %dma_wait3A_181 = arith.constant 0 : i32
      %dma_wait3A_182 = tpu.memref_slice %arg12[%rem3A_179, %dma_wait3A_180, %dma_wait3A_181] : memref<16x1x128xi32, #tpu.memory_space<vmem>> -> memref<1x1x128xi32, #tpu.memory_space<vmem>>
      %dma_wait3A_183 = tpu.memref_squeeze %dma_wait3A_182 : memref<1x1x128xi32, #tpu.memory_space<vmem>> -> memref<128xi32, #tpu.memory_space<vmem>>
      %dma_wait3A_184 = arith.constant 0 : i32
      %dma_wait3A_185 = tpu.memref_slice %arg18[%dma_wait3A_184] : memref<10240xf32, #tpu.memory_space<vmem_shared>> -> memref<10240xf32, #tpu.memory_space<vmem_shared>>
      tpu.wait_indirect_dma semaphore(%arg21 : memref<!tpu.dma_semaphore, #tpu.memory_space<semaphore_mem>>) src(%arg15 : memref<128xf32, #tpu.memory_space<vmem>>) dst(%dma_wait3A_185 : memref<10240xf32, #tpu.memory_space<vmem_shared>>)
      %dma_wait3A_186 = arith.constant 0 : i32
      %dma_wait3A_187 = arith.constant 0 : i32
      %dma_wait3A_188 = tpu.memref_slice %arg4[%dma_wait3A_186, %dma_wait3A_187] : memref<10240x128xf32, #tpu.memory_space<hbm>> -> memref<128x128xf32, #tpu.memory_space<hbm>>
      %dma_wait3A_189 = arith.constant 0 : i32
      %dma_wait3A_190 = arith.constant 0 : i32
      %dma_wait3A_191 = tpu.memref_slice %arg4[%dma_wait3A_189, %dma_wait3A_190] : memref<10240x128xf32, #tpu.memory_space<hbm>> -> memref<128x128xf32, #tpu.memory_space<hbm>>
      tpu.wait_dma2 semaphore(%arg20 : memref<!tpu.dma_semaphore, #tpu.memory_space<semaphore_mem>>) src(%dma_wait3A_191 : memref<128x128xf32, #tpu.memory_space<hbm>>) dst(%arg14 : memref<128x128xf32, #tpu.memory_space<vmem>>)
      %run_scoped3A_192 = arith.constant 0 : i32
      "tpu.region"() ({
        %run_scoped3A_205 = tpu.sem_alloc : memref<!tpu.dma_semaphore, #tpu.memory_space<semaphore_mem>>
        %dma_start3A_206 = arith.constant 0 : i32
        %dma_start3A_207 = tpu.memref_slice %arg12[%rem3A_179, %run_scoped3A_192, %dma_start3A_206] : memref<16x1x128xi32, #tpu.memory_space<vmem>> -> memref<1x1x128xi32, #tpu.memory_space<vmem>>
        %dma_start3A_208 = tpu.memref_squeeze %dma_start3A_207 : memref<1x1x128xi32, #tpu.memory_space<vmem>> -> memref<128xi32, #tpu.memory_space<vmem>>
        %dma_start3A_209 = arith.constant 0 : i32
        %dma_start3A_210 = arith.constant 0 : i32
        %dma_start3A_211 = tpu.memref_slice %arg17[%dma_start3A_209, %dma_start3A_210] : memref<10240x128xf32, #tpu.memory_space<vmem_shared>> -> memref<10240x128xf32, #tpu.memory_space<vmem_shared>>
        tpu.enqueue_indirect_dma source(%arg14 : memref<128x128xf32, #tpu.memory_space<vmem>>) target(%dma_start3A_211 : memref<10240x128xf32, #tpu.memory_space<vmem_shared>>) offsets(%dma_start3A_208 : memref<128xi32, #tpu.memory_space<vmem>>) semaphore(%run_scoped3A_205 : memref<!tpu.dma_semaphore, #tpu.memory_space<semaphore_mem>>) {add = true}
        %dma_wait3A_212 = arith.constant 0 : i32
        %dma_wait3A_213 = tpu.memref_slice %arg12[%rem3A_179, %run_scoped3A_192, %dma_wait3A_212] : memref<16x1x128xi32, #tpu.memory_space<vmem>> -> memref<1x1x128xi32, #tpu.memory_space<vmem>>
        %dma_wait3A_214 = tpu.memref_squeeze %dma_wait3A_213 : memref<1x1x128xi32, #tpu.memory_space<vmem>> -> memref<128xi32, #tpu.memory_space<vmem>>
        %dma_wait3A_215 = arith.constant 0 : i32
        %dma_wait3A_216 = arith.constant 0 : i32
        %dma_wait3A_217 = tpu.memref_slice %arg17[%dma_wait3A_215, %dma_wait3A_216] : memref<10240x128xf32, #tpu.memory_space<vmem_shared>> -> memref<10240x128xf32, #tpu.memory_space<vmem_shared>>
        tpu.wait_indirect_dma semaphore(%run_scoped3A_205 : memref<!tpu.dma_semaphore, #tpu.memory_space<semaphore_mem>>) src(%arg14 : memref<128x128xf32, #tpu.memory_space<vmem>>) dst(%dma_wait3A_217 : memref<10240x128xf32, #tpu.memory_space<vmem_shared>>)
        tpu.yield
      }) : () -> ()
      %dma_start3A_193 = arith.constant 0 : i32
      %dma_start3A_194 = arith.constant 0 : i32
      %dma_start3A_195 = tpu.memref_slice %arg12[%rem3A_179, %dma_start3A_193, %dma_start3A_194] : memref<16x1x128xi32, #tpu.memory_space<vmem>> -> memref<1x1x128xi32, #tpu.memory_space<vmem>>
      %dma_start3A_196 = tpu.memref_squeeze %dma_start3A_195 : memref<1x1x128xi32, #tpu.memory_space<vmem>> -> memref<128xi32, #tpu.memory_space<vmem>>
      %dma_start3A_197 = arith.constant 0 : i32
      %dma_start3A_198 = tpu.memref_slice %arg18[%dma_start3A_197] : memref<10240xf32, #tpu.memory_space<vmem_shared>> -> memref<10240xf32, #tpu.memory_space<vmem_shared>>
      tpu.enqueue_indirect_dma source(%arg15 : memref<128xf32, #tpu.memory_space<vmem>>) target(%dma_start3A_198 : memref<10240xf32, #tpu.memory_space<vmem_shared>>) offsets(%dma_start3A_196 : memref<128xi32, #tpu.memory_space<vmem>>) semaphore(%arg21 : memref<!tpu.dma_semaphore, #tpu.memory_space<semaphore_mem>>) {add = true}
      %add3A_199 = arith.constant 2 : i32
      %add3A_200 = arith.addi %add3A_177, %add3A_199 : i32
      %lt3A_201 = arith.cmpi slt, %add3A_200, %select_n3A_3 : i32
      %convert_element_type3A_202 = arith.extui %lt3A_201 : i1 to i32
      %cond3A_203 = arith.constant 0 : i32
      %cond3A_204 = arith.cmpi ne, %convert_element_type3A_202, %cond3A_203 : i32
      scf.if %cond3A_204 {
        %add3A_205 = arith.constant 2 : i32
        %add3A_206 = arith.addi %add3A_177, %add3A_205 : i32
        %rem3A_207 = arith.constant 16 : i32
        %rem3A_208 = arith.remsi %add3A_206, %rem3A_207 : i32
        %dma_start3A_209 = arith.constant 0 : i32
        %dma_start3A_210 = arith.constant 0 : i32
        %dma_start3A_211 = tpu.memref_slice %arg11[%rem3A_208, %dma_start3A_209, %dma_start3A_210] : memref<16x1x128xi32, #tpu.memory_space<vmem>> -> memref<1x1x128xi32, #tpu.memory_space<vmem>>
        %dma_start3A_212 = tpu.memref_squeeze %dma_start3A_211 : memref<1x1x128xi32, #tpu.memory_space<vmem>> -> memref<128xi32, #tpu.memory_space<vmem>>
        %dma_start3A_213 = arith.constant 0 : i32
        %dma_start3A_214 = arith.constant 0 : i32
        %dma_start3A_215 = tpu.memref_slice %arg4[%dma_start3A_213, %dma_start3A_214] : memref<10240x128xf32, #tpu.memory_space<hbm>> -> memref<10240x128xf32, #tpu.memory_space<hbm>>
        tpu.enqueue_indirect_dma source(%dma_start3A_215 : memref<10240x128xf32, #tpu.memory_space<hbm>>) target(%arg14 : memref<128x128xf32, #tpu.memory_space<vmem>>) offsets(%dma_start3A_212 : memref<128xi32, #tpu.memory_space<vmem>>) semaphore(%arg20 : memref<!tpu.dma_semaphore, #tpu.memory_space<semaphore_mem>>)
      } else {
      }
    }
    %while3A_108 = arith.constant 1 : i32
    scf.for %while3A_124 = %while3A_106 to %while3A_102 step %while3A_108  : i32 {
      %mul3A_125 = arith.constant 2 : i32
      %mul3A_126 = arith.muli %while3A_124, %mul3A_125 : i32
      %add3A_127 = arith.constant 0 : i32
      %add3A_128 = arith.addi %mul3A_126, %add3A_127 : i32
      %rem3A_129 = arith.constant 16 : i32
      %rem3A_130 = arith.remsi %add3A_128, %rem3A_129 : i32
      %gt3A = arith.constant 0 : i32
      %gt3A_131 = arith.cmpi sgt, %while3A_124, %gt3A : i32
      %convert_element_type3A_132 = arith.extui %gt3A_131 : i1 to i32
      %cond3A_133 = arith.constant 0 : i32
      %cond3A_134 = arith.constant 0 : i32
      %cond3A_135 = arith.cmpi ne, %convert_element_type3A_132, %cond3A_134 : i32
      scf.if %cond3A_135 {
        %dma_wait3A_205 = arith.constant 0 : i32
        %dma_wait3A_206 = tpu.memref_slice %arg12[%rem3A_130, %cond3A_133, %dma_wait3A_205] : memref<16x1x128xi32, #tpu.memory_space<vmem>> -> memref<1x1x128xi32, #tpu.memory_space<vmem>>
        %dma_wait3A_207 = tpu.memref_squeeze %dma_wait3A_206 : memref<1x1x128xi32, #tpu.memory_space<vmem>> -> memref<128xi32, #tpu.memory_space<vmem>>
        %dma_wait3A_208 = arith.constant 0 : i32
        %dma_wait3A_209 = tpu.memref_slice %arg18[%dma_wait3A_208] : memref<10240xf32, #tpu.memory_space<vmem_shared>> -> memref<10240xf32, #tpu.memory_space<vmem_shared>>
        tpu.wait_indirect_dma semaphore(%arg21 : memref<!tpu.dma_semaphore, #tpu.memory_space<semaphore_mem>>) src(%arg15 : memref<128xf32, #tpu.memory_space<vmem>>) dst(%dma_wait3A_209 : memref<10240xf32, #tpu.memory_space<vmem_shared>>)
      } else {
      }
      %rem3A_136 = arith.constant 8 : i32
      %rem3A_137 = arith.remsi %while3A_124, %rem3A_136 : i32
      %eq3A_138 = arith.constant 0 : i32
      %eq3A_139 = arith.cmpi eq, %rem3A_137, %eq3A_138 : i32
      %gt3A_140 = arith.constant 0 : i32
      %gt3A_141 = arith.cmpi sgt, %while3A_124, %gt3A_140 : i32
      %and3A_142 = arith.andi %eq3A_139, %gt3A_141 : i1
      %convert_element_type3A_143 = arith.extui %and3A_142 : i1 to i32
      %cond3A_144 = arith.constant 0 : i32
      %cond3A_145 = arith.cmpi ne, %convert_element_type3A_143, %cond3A_144 : i32
      scf.if %cond3A_145 {
        %add3A_205 = arith.addi %select_n3A_28, %add3A_128 : i32
        "tpu.region"() ({
          %run_scoped3A_206 = tpu.sem_alloc : memref<!tpu.dma_semaphore, #tpu.memory_space<semaphore_mem>>
          %dma_start3A_207 = arith.constant 0 : i32
          %dma_start3A_208 = arith.constant 0 : i32
          %dma_start3A_209 = tpu.memref_slice %arg3[%add3A_205, %dma_start3A_207, %dma_start3A_208] : memref<2576x1x128xi32, #tpu.memory_space<hbm>> -> memref<16x1x128xi32, #tpu.memory_space<hbm>>
          %dma_start3A_210 = arith.constant 0 : i32
          %dma_start3A_211 = arith.constant 0 : i32
          %dma_start3A_212 = tpu.memref_slice %arg3[%add3A_205, %dma_start3A_210, %dma_start3A_211] : memref<2576x1x128xi32, #tpu.memory_space<hbm>> -> memref<16x1x128xi32, #tpu.memory_space<hbm>>
          tpu.enqueue_dma source(%dma_start3A_212 : memref<16x1x128xi32, #tpu.memory_space<hbm>>) target(%arg12 : memref<16x1x128xi32, #tpu.memory_space<vmem>>) target_semaphore(%run_scoped3A_206 : memref<!tpu.dma_semaphore, #tpu.memory_space<semaphore_mem>>)
          %dma_wait3A_213 = arith.constant 0 : i32
          %dma_wait3A_214 = arith.constant 0 : i32
          %dma_wait3A_215 = tpu.memref_slice %arg3[%add3A_205, %dma_wait3A_213, %dma_wait3A_214] : memref<2576x1x128xi32, #tpu.memory_space<hbm>> -> memref<16x1x128xi32, #tpu.memory_space<hbm>>
          %dma_wait3A_216 = arith.constant 0 : i32
          %dma_wait3A_217 = arith.constant 0 : i32
          %dma_wait3A_218 = tpu.memref_slice %arg3[%add3A_205, %dma_wait3A_216, %dma_wait3A_217] : memref<2576x1x128xi32, #tpu.memory_space<hbm>> -> memref<16x1x128xi32, #tpu.memory_space<hbm>>
          tpu.wait_dma2 semaphore(%run_scoped3A_206 : memref<!tpu.dma_semaphore, #tpu.memory_space<semaphore_mem>>) src(%dma_wait3A_218 : memref<16x1x128xi32, #tpu.memory_space<hbm>>) dst(%arg12 : memref<16x1x128xi32, #tpu.memory_space<vmem>>)
          tpu.yield
        }) : () -> ()
      } else {
      }
      %dma_wait3A_146 = arith.constant 0 : i32
      %dma_wait3A_147 = arith.constant 0 : i32
      %dma_wait3A_148 = tpu.memref_slice %arg4[%dma_wait3A_146, %dma_wait3A_147] : memref<10240x128xf32, #tpu.memory_space<hbm>> -> memref<128x128xf32, #tpu.memory_space<hbm>>
      %dma_wait3A_149 = arith.constant 0 : i32
      %dma_wait3A_150 = arith.constant 0 : i32
      %dma_wait3A_151 = tpu.memref_slice %arg4[%dma_wait3A_149, %dma_wait3A_150] : memref<10240x128xf32, #tpu.memory_space<hbm>> -> memref<128x128xf32, #tpu.memory_space<hbm>>
      tpu.wait_dma2 semaphore(%arg19 : memref<!tpu.dma_semaphore, #tpu.memory_space<semaphore_mem>>) src(%dma_wait3A_151 : memref<128x128xf32, #tpu.memory_space<hbm>>) dst(%arg13 : memref<128x128xf32, #tpu.memory_space<vmem>>)
      %run_scoped3A = arith.constant 0 : i32
      "tpu.region"() ({
        %run_scoped3A_205 = tpu.sem_alloc : memref<!tpu.dma_semaphore, #tpu.memory_space<semaphore_mem>>
        %dma_start3A_206 = arith.constant 0 : i32
        %dma_start3A_207 = tpu.memref_slice %arg12[%rem3A_130, %run_scoped3A, %dma_start3A_206] : memref<16x1x128xi32, #tpu.memory_space<vmem>> -> memref<1x1x128xi32, #tpu.memory_space<vmem>>
        %dma_start3A_208 = tpu.memref_squeeze %dma_start3A_207 : memref<1x1x128xi32, #tpu.memory_space<vmem>> -> memref<128xi32, #tpu.memory_space<vmem>>
        %dma_start3A_209 = arith.constant 0 : i32
        %dma_start3A_210 = arith.constant 0 : i32
        %dma_start3A_211 = tpu.memref_slice %arg17[%dma_start3A_209, %dma_start3A_210] : memref<10240x128xf32, #tpu.memory_space<vmem_shared>> -> memref<10240x128xf32, #tpu.memory_space<vmem_shared>>
        tpu.enqueue_indirect_dma source(%arg13 : memref<128x128xf32, #tpu.memory_space<vmem>>) target(%dma_start3A_211 : memref<10240x128xf32, #tpu.memory_space<vmem_shared>>) offsets(%dma_start3A_208 : memref<128xi32, #tpu.memory_space<vmem>>) semaphore(%run_scoped3A_205 : memref<!tpu.dma_semaphore, #tpu.memory_space<semaphore_mem>>) {add = true}
        %dma_wait3A_212 = arith.constant 0 : i32
        %dma_wait3A_213 = tpu.memref_slice %arg12[%rem3A_130, %run_scoped3A, %dma_wait3A_212] : memref<16x1x128xi32, #tpu.memory_space<vmem>> -> memref<1x1x128xi32, #tpu.memory_space<vmem>>
        %dma_wait3A_214 = tpu.memref_squeeze %dma_wait3A_213 : memref<1x1x128xi32, #tpu.memory_space<vmem>> -> memref<128xi32, #tpu.memory_space<vmem>>
        %dma_wait3A_215 = arith.constant 0 : i32
        %dma_wait3A_216 = arith.constant 0 : i32
        %dma_wait3A_217 = tpu.memref_slice %arg17[%dma_wait3A_215, %dma_wait3A_216] : memref<10240x128xf32, #tpu.memory_space<vmem_shared>> -> memref<10240x128xf32, #tpu.memory_space<vmem_shared>>
        tpu.wait_indirect_dma semaphore(%run_scoped3A_205 : memref<!tpu.dma_semaphore, #tpu.memory_space<semaphore_mem>>) src(%arg13 : memref<128x128xf32, #tpu.memory_space<vmem>>) dst(%dma_wait3A_217 : memref<10240x128xf32, #tpu.memory_space<vmem_shared>>)
        tpu.yield
      }) : () -> ()
      %dma_start3A_152 = arith.constant 0 : i32
      %dma_start3A_153 = arith.constant 0 : i32
      %dma_start3A_154 = tpu.memref_slice %arg12[%rem3A_130, %dma_start3A_152, %dma_start3A_153] : memref<16x1x128xi32, #tpu.memory_space<vmem>> -> memref<1x1x128xi32, #tpu.memory_space<vmem>>
      %dma_start3A_155 = tpu.memref_squeeze %dma_start3A_154 : memref<1x1x128xi32, #tpu.memory_space<vmem>> -> memref<128xi32, #tpu.memory_space<vmem>>
      %dma_start3A_156 = arith.constant 0 : i32
      %dma_start3A_157 = tpu.memref_slice %arg18[%dma_start3A_156] : memref<10240xf32, #tpu.memory_space<vmem_shared>> -> memref<10240xf32, #tpu.memory_space<vmem_shared>>
      tpu.enqueue_indirect_dma source(%arg15 : memref<128xf32, #tpu.memory_space<vmem>>) target(%dma_start3A_157 : memref<10240xf32, #tpu.memory_space<vmem_shared>>) offsets(%dma_start3A_155 : memref<128xi32, #tpu.memory_space<vmem>>) semaphore(%arg21 : memref<!tpu.dma_semaphore, #tpu.memory_space<semaphore_mem>>) {add = true}
      %rem3A_158 = arith.constant 8 : i32
      %rem3A_159 = arith.remsi %while3A_124, %rem3A_158 : i32
      %eq3A_160 = arith.constant 7 : i32
      %eq3A_161 = arith.cmpi eq, %rem3A_159, %eq3A_160 : i32
      %sub3A_162 = arith.constant 1 : i32
      %sub3A_163 = arith.subi %select_n3A_20, %sub3A_162 : i32
      %lt3A = arith.cmpi slt, %while3A_124, %sub3A_163 : i32
      %and3A_164 = arith.andi %eq3A_161, %lt3A : i1
      %convert_element_type3A_165 = arith.extui %and3A_164 : i1 to i32
      %cond3A_166 = arith.constant 0 : i32
      %cond3A_167 = arith.cmpi ne, %convert_element_type3A_165, %cond3A_166 : i32
      scf.if %cond3A_167 {
        %add3A_205 = arith.addi %select_n3A_28, %add3A_128 : i32
        %add3A_206 = arith.constant 2 : i32
        %add3A_207 = arith.addi %add3A_205, %add3A_206 : i32
        "tpu.region"() ({
          %run_scoped3A_208 = tpu.sem_alloc : memref<!tpu.dma_semaphore, #tpu.memory_space<semaphore_mem>>
          %dma_start3A_209 = arith.constant 0 : i32
          %dma_start3A_210 = arith.constant 0 : i32
          %dma_start3A_211 = tpu.memref_slice %arg2[%add3A_207, %dma_start3A_209, %dma_start3A_210] : memref<2576x1x128xi32, #tpu.memory_space<hbm>> -> memref<16x1x128xi32, #tpu.memory_space<hbm>>
          %dma_start3A_212 = arith.constant 0 : i32
          %dma_start3A_213 = arith.constant 0 : i32
          %dma_start3A_214 = tpu.memref_slice %arg2[%add3A_207, %dma_start3A_212, %dma_start3A_213] : memref<2576x1x128xi32, #tpu.memory_space<hbm>> -> memref<16x1x128xi32, #tpu.memory_space<hbm>>
          tpu.enqueue_dma source(%dma_start3A_214 : memref<16x1x128xi32, #tpu.memory_space<hbm>>) target(%arg11 : memref<16x1x128xi32, #tpu.memory_space<vmem>>) target_semaphore(%run_scoped3A_208 : memref<!tpu.dma_semaphore, #tpu.memory_space<semaphore_mem>>)
          %dma_wait3A_215 = arith.constant 0 : i32
          %dma_wait3A_216 = arith.constant 0 : i32
          %dma_wait3A_217 = tpu.memref_slice %arg2[%add3A_207, %dma_wait3A_215, %dma_wait3A_216] : memref<2576x1x128xi32, #tpu.memory_space<hbm>> -> memref<16x1x128xi32, #tpu.memory_space<hbm>>
          %dma_wait3A_218 = arith.constant 0 : i32
          %dma_wait3A_219 = arith.constant 0 : i32
          %dma_wait3A_220 = tpu.memref_slice %arg2[%add3A_207, %dma_wait3A_218, %dma_wait3A_219] : memref<2576x1x128xi32, #tpu.memory_space<hbm>> -> memref<16x1x128xi32, #tpu.memory_space<hbm>>
          tpu.wait_dma2 semaphore(%run_scoped3A_208 : memref<!tpu.dma_semaphore, #tpu.memory_space<semaphore_mem>>) src(%dma_wait3A_220 : memref<16x1x128xi32, #tpu.memory_space<hbm>>) dst(%arg11 : memref<16x1x128xi32, #tpu.memory_space<vmem>>)
          tpu.yield
        }) : () -> ()
      } else {
      }
      %add3A_168 = arith.constant 2 : i32
      %add3A_169 = arith.addi %add3A_128, %add3A_168 : i32
      %lt3A_170 = arith.cmpi slt, %add3A_169, %select_n3A_3 : i32
      %convert_element_type3A_171 = arith.extui %lt3A_170 : i1 to i32
      %cond3A_172 = arith.constant 0 : i32
      %cond3A_173 = arith.cmpi ne, %convert_element_type3A_171, %cond3A_172 : i32
      scf.if %cond3A_173 {
        %add3A_205 = arith.constant 2 : i32
        %add3A_206 = arith.addi %add3A_128, %add3A_205 : i32
        %rem3A_207 = arith.constant 16 : i32
        %rem3A_208 = arith.remsi %add3A_206, %rem3A_207 : i32
        %dma_start3A_209 = arith.constant 0 : i32
        %dma_start3A_210 = arith.constant 0 : i32
        %dma_start3A_211 = tpu.memref_slice %arg11[%rem3A_208, %dma_start3A_209, %dma_start3A_210] : memref<16x1x128xi32, #tpu.memory_space<vmem>> -> memref<1x1x128xi32, #tpu.memory_space<vmem>>
        %dma_start3A_212 = tpu.memref_squeeze %dma_start3A_211 : memref<1x1x128xi32, #tpu.memory_space<vmem>> -> memref<128xi32, #tpu.memory_space<vmem>>
        %dma_start3A_213 = arith.constant 0 : i32
        %dma_start3A_214 = arith.constant 0 : i32
        %dma_start3A_215 = tpu.memref_slice %arg4[%dma_start3A_213, %dma_start3A_214] : memref<10240x128xf32, #tpu.memory_space<hbm>> -> memref<10240x128xf32, #tpu.memory_space<hbm>>
        tpu.enqueue_indirect_dma source(%dma_start3A_215 : memref<10240x128xf32, #tpu.memory_space<hbm>>) target(%arg13 : memref<128x128xf32, #tpu.memory_space<vmem>>) offsets(%dma_start3A_212 : memref<128xi32, #tpu.memory_space<vmem>>) semaphore(%arg19 : memref<!tpu.dma_semaphore, #tpu.memory_space<semaphore_mem>>)
      } else {
      }
      %mul3A_174 = arith.constant 2 : i32
      %mul3A_175 = arith.muli %while3A_124, %mul3A_174 : i32
      %add3A_176 = arith.constant 1 : i32
      %add3A_177 = arith.addi %mul3A_175, %add3A_176 : i32
      %rem3A_178 = arith.constant 16 : i32
      %rem3A_179 = arith.remsi %add3A_177, %rem3A_178 : i32
      %dma_wait3A_180 = arith.constant 0 : i32
      %dma_wait3A_181 = arith.constant 0 : i32
      %dma_wait3A_182 = tpu.memref_slice %arg12[%rem3A_179, %dma_wait3A_180, %dma_wait3A_181] : memref<16x1x128xi32, #tpu.memory_space<vmem>> -> memref<1x1x128xi32, #tpu.memory_space<vmem>>
      %dma_wait3A_183 = tpu.memref_squeeze %dma_wait3A_182 : memref<1x1x128xi32, #tpu.memory_space<vmem>> -> memref<128xi32, #tpu.memory_space<vmem>>
      %dma_wait3A_184 = arith.constant 0 : i32
      %dma_wait3A_185 = tpu.memref_slice %arg18[%dma_wait3A_184] : memref<10240xf32, #tpu.memory_space<vmem_shared>> -> memref<10240xf32, #tpu.memory_space<vmem_shared>>
      tpu.wait_indirect_dma semaphore(%arg21 : memref<!tpu.dma_semaphore, #tpu.memory_space<semaphore_mem>>) src(%arg15 : memref<128xf32, #tpu.memory_space<vmem>>) dst(%dma_wait3A_185 : memref<10240xf32, #tpu.memory_space<vmem_shared>>)
      %dma_wait3A_186 = arith.constant 0 : i32
      %dma_wait3A_187 = arith.constant 0 : i32
      %dma_wait3A_188 = tpu.memref_slice %arg4[%dma_wait3A_186, %dma_wait3A_187] : memref<10240x128xf32, #tpu.memory_space<hbm>> -> memref<128x128xf32, #tpu.memory_space<hbm>>
      %dma_wait3A_189 = arith.constant 0 : i32
      %dma_wait3A_190 = arith.constant 0 : i32
      %dma_wait3A_191 = tpu.memref_slice %arg4[%dma_wait3A_189, %dma_wait3A_190] : memref<10240x128xf32, #tpu.memory_space<hbm>> -> memref<128x128xf32, #tpu.memory_space<hbm>>
      tpu.wait_dma2 semaphore(%arg20 : memref<!tpu.dma_semaphore, #tpu.memory_space<semaphore_mem>>) src(%dma_wait3A_191 : memref<128x128xf32, #tpu.memory_space<hbm>>) dst(%arg14 : memref<128x128xf32, #tpu.memory_space<vmem>>)
      %run_scoped3A_192 = arith.constant 0 : i32
      "tpu.region"() ({
        %run_scoped3A_205 = tpu.sem_alloc : memref<!tpu.dma_semaphore, #tpu.memory_space<semaphore_mem>>
        %dma_start3A_206 = arith.constant 0 : i32
        %dma_start3A_207 = tpu.memref_slice %arg12[%rem3A_179, %run_scoped3A_192, %dma_start3A_206] : memref<16x1x128xi32, #tpu.memory_space<vmem>> -> memref<1x1x128xi32, #tpu.memory_space<vmem>>
        %dma_start3A_208 = tpu.memref_squeeze %dma_start3A_207 : memref<1x1x128xi32, #tpu.memory_space<vmem>> -> memref<128xi32, #tpu.memory_space<vmem>>
        %dma_start3A_209 = arith.constant 0 : i32
        %dma_start3A_210 = arith.constant 0 : i32
        %dma_start3A_211 = tpu.memref_slice %arg17[%dma_start3A_209, %dma_start3A_210] : memref<10240x128xf32, #tpu.memory_space<vmem_shared>> -> memref<10240x128xf32, #tpu.memory_space<vmem_shared>>
        tpu.enqueue_indirect_dma source(%arg14 : memref<128x128xf32, #tpu.memory_space<vmem>>) target(%dma_start3A_211 : memref<10240x128xf32, #tpu.memory_space<vmem_shared>>) offsets(%dma_start3A_208 : memref<128xi32, #tpu.memory_space<vmem>>) semaphore(%run_scoped3A_205 : memref<!tpu.dma_semaphore, #tpu.memory_space<semaphore_mem>>) {add = true}
        %dma_wait3A_212 = arith.constant 0 : i32
        %dma_wait3A_213 = tpu.memref_slice %arg12[%rem3A_179, %run_scoped3A_192, %dma_wait3A_212] : memref<16x1x128xi32, #tpu.memory_space<vmem>> -> memref<1x1x128xi32, #tpu.memory_space<vmem>>
        %dma_wait3A_214 = tpu.memref_squeeze %dma_wait3A_213 : memref<1x1x128xi32, #tpu.memory_space<vmem>> -> memref<128xi32, #tpu.memory_space<vmem>>
        %dma_wait3A_215 = arith.constant 0 : i32
        %dma_wait3A_216 = arith.constant 0 : i32
        %dma_wait3A_217 = tpu.memref_slice %arg17[%dma_wait3A_215, %dma_wait3A_216] : memref<10240x128xf32, #tpu.memory_space<vmem_shared>> -> memref<10240x128xf32, #tpu.memory_space<vmem_shared>>
        tpu.wait_indirect_dma semaphore(%run_scoped3A_205 : memref<!tpu.dma_semaphore, #tpu.memory_space<semaphore_mem>>) src(%arg14 : memref<128x128xf32, #tpu.memory_space<vmem>>) dst(%dma_wait3A_217 : memref<10240x128xf32, #tpu.memory_space<vmem_shared>>)
        tpu.yield
      }) : () -> ()
      %dma_start3A_193 = arith.constant 0 : i32
      %dma_start3A_194 = arith.constant 0 : i32
      %dma_start3A_195 = tpu.memref_slice %arg12[%rem3A_179, %dma_start3A_193, %dma_start3A_194] : memref<16x1x128xi32, #tpu.memory_space<vmem>> -> memref<1x1x128xi32, #tpu.memory_space<vmem>>
      %dma_start3A_196 = tpu.memref_squeeze %dma_start3A_195 : memref<1x1x128xi32, #tpu.memory_space<vmem>> -> memref<128xi32, #tpu.memory_space<vmem>>
      %dma_start3A_197 = arith.constant 0 : i32
      %dma_start3A_198 = tpu.memref_slice %arg18[%dma_start3A_197] : memref<10240xf32, #tpu.memory_space<vmem_shared>> -> memref<10240xf32, #tpu.memory_space<vmem_shared>>
      tpu.enqueue_indirect_dma source(%arg15 : memref<128xf32, #tpu.memory_space<vmem>>) target(%dma_start3A_198 : memref<10240xf32, #tpu.memory_space<vmem_shared>>) offsets(%dma_start3A_196 : memref<128xi32, #tpu.memory_space<vmem>>) semaphore(%arg21 : memref<!tpu.dma_semaphore, #tpu.memory_space<semaphore_mem>>) {add = true}
      %add3A_199 = arith.constant 2 : i32
      %add3A_200 = arith.addi %add3A_177, %add3A_199 : i32
      %lt3A_201 = arith.cmpi slt, %add3A_200, %select_n3A_3 : i32
      %convert_element_type3A_202 = arith.extui %lt3A_201 : i1 to i32
      %cond3A_203 = arith.constant 0 : i32
      %cond3A_204 = arith.cmpi ne, %convert_element_type3A_202, %cond3A_203 : i32
      scf.if %cond3A_204 {
        %add3A_205 = arith.constant 2 : i32
        %add3A_206 = arith.addi %add3A_177, %add3A_205 : i32
        %rem3A_207 = arith.constant 16 : i32
        %rem3A_208 = arith.remsi %add3A_206, %rem3A_207 : i32
        %dma_start3A_209 = arith.constant 0 : i32
        %dma_start3A_210 = arith.constant 0 : i32
        %dma_start3A_211 = tpu.memref_slice %arg11[%rem3A_208, %dma_start3A_209, %dma_start3A_210] : memref<16x1x128xi32, #tpu.memory_space<vmem>> -> memref<1x1x128xi32, #tpu.memory_space<vmem>>
        %dma_start3A_212 = tpu.memref_squeeze %dma_start3A_211 : memref<1x1x128xi32, #tpu.memory_space<vmem>> -> memref<128xi32, #tpu.memory_space<vmem>>
        %dma_start3A_213 = arith.constant 0 : i32
        %dma_start3A_214 = arith.constant 0 : i32
        %dma_start3A_215 = tpu.memref_slice %arg4[%dma_start3A_213, %dma_start3A_214] : memref<10240x128xf32, #tpu.memory_space<hbm>> -> memref<10240x128xf32, #tpu.memory_space<hbm>>
        tpu.enqueue_indirect_dma source(%dma_start3A_215 : memref<10240x128xf32, #tpu.memory_space<hbm>>) target(%arg14 : memref<128x128xf32, #tpu.memory_space<vmem>>) offsets(%dma_start3A_212 : memref<128xi32, #tpu.memory_space<vmem>>) semaphore(%arg20 : memref<!tpu.dma_semaphore, #tpu.memory_space<semaphore_mem>>)
      } else {
      }
    }
    %dma_wait3A = arith.constant 0 : i32
    %dma_wait3A_109 = arith.constant 0 : i32
    %dma_wait3A_110 = arith.constant 0 : i32
    %dma_wait3A_111 = tpu.memref_slice %arg12[%dma_wait3A, %dma_wait3A_109, %dma_wait3A_110] : memref<16x1x128xi32, #tpu.memory_space<vmem>> -> memref<1x1x128xi32, #tpu.memory_space<vmem>>
    %dma_wait3A_112 = tpu.memref_squeeze %dma_wait3A_111 : memref<1x1x128xi32, #tpu.memory_space<vmem>> -> memref<128xi32, #tpu.memory_space<vmem>>
    %dma_wait3A_113 = arith.constant 0 : i32
    %dma_wait3A_114 = tpu.memref_slice %arg18[%dma_wait3A_113] : memref<10240xf32, #tpu.memory_space<vmem_shared>> -> memref<10240xf32, #tpu.memory_space<vmem_shared>>
    tpu.wait_indirect_dma semaphore(%arg21 : memref<!tpu.dma_semaphore, #tpu.memory_space<semaphore_mem>>) src(%arg15 : memref<128xf32, #tpu.memory_space<vmem>>) dst(%dma_wait3A_114 : memref<10240xf32, #tpu.memory_space<vmem_shared>>)
    %barrier3A_115 = arith.constant 0 : index
    tpu.barrier barrier_id(%barrier3A_115)
    %eq3A_116 = arith.constant 0 : i32
    %eq3A_117 = arith.cmpi eq, %arg0, %eq3A_116 : i32
    %convert_element_type3A = arith.extui %eq3A_117 : i1 to i32
    %cond3A = arith.constant 0 : i32
    %cond3A_118 = arith.cmpi ne, %convert_element_type3A, %cond3A : i32
    scf.if %cond3A_118 {
      %add3A_124 = arith.constant 0 : i32
      %add3A_125 = arith.addi %mul3A_0, %add3A_124 : i32
      "tpu.region"() ({
        %run_scoped3A = tpu.sem_alloc : memref<!tpu.dma_semaphore, #tpu.memory_space<semaphore_mem>>
        %dma_start3A_134 = arith.constant 0 : i32
        %dma_start3A_135 = tpu.memref_slice %arg17[%add3A_125, %dma_start3A_134] : memref<10240x128xf32, #tpu.memory_space<vmem_shared>> -> memref<128x128xf32, #tpu.memory_space<vmem_shared>>
        %dma_start3A_136 = arith.constant 0 : i32
        %dma_start3A_137 = tpu.memref_slice %arg17[%add3A_125, %dma_start3A_136] : memref<10240x128xf32, #tpu.memory_space<vmem_shared>> -> memref<128x128xf32, #tpu.memory_space<vmem_shared>>
        tpu.enqueue_dma source(%dma_start3A_137 : memref<128x128xf32, #tpu.memory_space<vmem_shared>>) target(%arg13 : memref<128x128xf32, #tpu.memory_space<vmem>>) target_semaphore(%run_scoped3A : memref<!tpu.dma_semaphore, #tpu.memory_space<semaphore_mem>>)
        %dma_wait3A_138 = arith.constant 0 : i32
        %dma_wait3A_139 = tpu.memref_slice %arg17[%add3A_125, %dma_wait3A_138] : memref<10240x128xf32, #tpu.memory_space<vmem_shared>> -> memref<128x128xf32, #tpu.memory_space<vmem_shared>>
        %dma_wait3A_140 = arith.constant 0 : i32
        %dma_wait3A_141 = tpu.memref_slice %arg17[%add3A_125, %dma_wait3A_140] : memref<10240x128xf32, #tpu.memory_space<vmem_shared>> -> memref<128x128xf32, #tpu.memory_space<vmem_shared>>
        tpu.wait_dma2 semaphore(%run_scoped3A : memref<!tpu.dma_semaphore, #tpu.memory_space<semaphore_mem>>) src(%dma_wait3A_141 : memref<128x128xf32, #tpu.memory_space<vmem_shared>>) dst(%arg13 : memref<128x128xf32, #tpu.memory_space<vmem>>)
        tpu.yield
      }) : () -> ()
      "tpu.region"() ({
        %run_scoped3A = tpu.sem_alloc : memref<!tpu.dma_semaphore, #tpu.memory_space<semaphore_mem>>
        %dma_start3A_134 = arith.constant 0 : i32
        %dma_start3A_135 = tpu.memref_slice %arg7[%add3A_125, %dma_start3A_134] : memref<10240x128xf32, #tpu.memory_space<hbm>> -> memref<128x128xf32, #tpu.memory_space<hbm>>
        %dma_start3A_136 = arith.constant 0 : i32
        %dma_start3A_137 = tpu.memref_slice %arg7[%add3A_125, %dma_start3A_136] : memref<10240x128xf32, #tpu.memory_space<hbm>> -> memref<128x128xf32, #tpu.memory_space<hbm>>
        tpu.enqueue_dma source(%arg13 : memref<128x128xf32, #tpu.memory_space<vmem>>) target(%dma_start3A_137 : memref<128x128xf32, #tpu.memory_space<hbm>>) target_semaphore(%run_scoped3A : memref<!tpu.dma_semaphore, #tpu.memory_space<semaphore_mem>>)
        %dma_wait3A_138 = arith.constant 0 : i32
        %dma_wait3A_139 = tpu.memref_slice %arg7[%add3A_125, %dma_wait3A_138] : memref<10240x128xf32, #tpu.memory_space<hbm>> -> memref<128x128xf32, #tpu.memory_space<hbm>>
        %dma_wait3A_140 = arith.constant 0 : i32
        %dma_wait3A_141 = tpu.memref_slice %arg7[%add3A_125, %dma_wait3A_140] : memref<10240x128xf32, #tpu.memory_space<hbm>> -> memref<128x128xf32, #tpu.memory_space<hbm>>
        tpu.wait_dma2 semaphore(%run_scoped3A : memref<!tpu.dma_semaphore, #tpu.memory_space<semaphore_mem>>) src(%arg13 : memref<128x128xf32, #tpu.memory_space<vmem>>) dst(%dma_wait3A_141 : memref<128x128xf32, #tpu.memory_space<hbm>>)
        tpu.yield
      }) : () -> ()
      %add3A_126 = arith.constant 128 : i32
      %add3A_127 = arith.addi %mul3A_0, %add3A_126 : i32
      "tpu.region"() ({
        %run_scoped3A = tpu.sem_alloc : memref<!tpu.dma_semaphore, #tpu.memory_space<semaphore_mem>>
        %dma_start3A_134 = arith.constant 0 : i32
        %dma_start3A_135 = tpu.memref_slice %arg17[%add3A_127, %dma_start3A_134] : memref<10240x128xf32, #tpu.memory_space<vmem_shared>> -> memref<128x128xf32, #tpu.memory_space<vmem_shared>>
        %dma_start3A_136 = arith.constant 0 : i32
        %dma_start3A_137 = tpu.memref_slice %arg17[%add3A_127, %dma_start3A_136] : memref<10240x128xf32, #tpu.memory_space<vmem_shared>> -> memref<128x128xf32, #tpu.memory_space<vmem_shared>>
        tpu.enqueue_dma source(%dma_start3A_137 : memref<128x128xf32, #tpu.memory_space<vmem_shared>>) target(%arg13 : memref<128x128xf32, #tpu.memory_space<vmem>>) target_semaphore(%run_scoped3A : memref<!tpu.dma_semaphore, #tpu.memory_space<semaphore_mem>>)
        %dma_wait3A_138 = arith.constant 0 : i32
        %dma_wait3A_139 = tpu.memref_slice %arg17[%add3A_127, %dma_wait3A_138] : memref<10240x128xf32, #tpu.memory_space<vmem_shared>> -> memref<128x128xf32, #tpu.memory_space<vmem_shared>>
        %dma_wait3A_140 = arith.constant 0 : i32
        %dma_wait3A_141 = tpu.memref_slice %arg17[%add3A_127, %dma_wait3A_140] : memref<10240x128xf32, #tpu.memory_space<vmem_shared>> -> memref<128x128xf32, #tpu.memory_space<vmem_shared>>
        tpu.wait_dma2 semaphore(%run_scoped3A : memref<!tpu.dma_semaphore, #tpu.memory_space<semaphore_mem>>) src(%dma_wait3A_141 : memref<128x128xf32, #tpu.memory_space<vmem_shared>>) dst(%arg13 : memref<128x128xf32, #tpu.memory_space<vmem>>)
        tpu.yield
      }) : () -> ()
      "tpu.region"() ({
        %run_scoped3A = tpu.sem_alloc : memref<!tpu.dma_semaphore, #tpu.memory_space<semaphore_mem>>
        %dma_start3A_134 = arith.constant 0 : i32
        %dma_start3A_135 = tpu.memref_slice %arg7[%add3A_127, %dma_start3A_134] : memref<10240x128xf32, #tpu.memory_space<hbm>> -> memref<128x128xf32, #tpu.memory_space<hbm>>
        %dma_start3A_136 = arith.constant 0 : i32
        %dma_start3A_137 = tpu.memref_slice %arg7[%add3A_127, %dma_start3A_136] : memref<10240x128xf32, #tpu.memory_space<hbm>> -> memref<128x128xf32, #tpu.memory_space<hbm>>
        tpu.enqueue_dma source(%arg13 : memref<128x128xf32, #tpu.memory_space<vmem>>) target(%dma_start3A_137 : memref<128x128xf32, #tpu.memory_space<hbm>>) target_semaphore(%run_scoped3A : memref<!tpu.dma_semaphore, #tpu.memory_space<semaphore_mem>>)
        %dma_wait3A_138 = arith.constant 0 : i32
        %dma_wait3A_139 = tpu.memref_slice %arg7[%add3A_127, %dma_wait3A_138] : memref<10240x128xf32, #tpu.memory_space<hbm>> -> memref<128x128xf32, #tpu.memory_space<hbm>>
        %dma_wait3A_140 = arith.constant 0 : i32
        %dma_wait3A_141 = tpu.memref_slice %arg7[%add3A_127, %dma_wait3A_140] : memref<10240x128xf32, #tpu.memory_space<hbm>> -> memref<128x128xf32, #tpu.memory_space<hbm>>
        tpu.wait_dma2 semaphore(%run_scoped3A : memref<!tpu.dma_semaphore, #tpu.memory_space<semaphore_mem>>) src(%arg13 : memref<128x128xf32, #tpu.memory_space<vmem>>) dst(%dma_wait3A_141 : memref<128x128xf32, #tpu.memory_space<hbm>>)
        tpu.yield
      }) : () -> ()
      %add3A_128 = arith.constant 256 : i32
      %add3A_129 = arith.addi %mul3A_0, %add3A_128 : i32
      "tpu.region"() ({
        %run_scoped3A = tpu.sem_alloc : memref<!tpu.dma_semaphore, #tpu.memory_space<semaphore_mem>>
        %dma_start3A_134 = arith.constant 0 : i32
        %dma_start3A_135 = tpu.memref_slice %arg17[%add3A_129, %dma_start3A_134] : memref<10240x128xf32, #tpu.memory_space<vmem_shared>> -> memref<128x128xf32, #tpu.memory_space<vmem_shared>>
        %dma_start3A_136 = arith.constant 0 : i32
        %dma_start3A_137 = tpu.memref_slice %arg17[%add3A_129, %dma_start3A_136] : memref<10240x128xf32, #tpu.memory_space<vmem_shared>> -> memref<128x128xf32, #tpu.memory_space<vmem_shared>>
        tpu.enqueue_dma source(%dma_start3A_137 : memref<128x128xf32, #tpu.memory_space<vmem_shared>>) target(%arg13 : memref<128x128xf32, #tpu.memory_space<vmem>>) target_semaphore(%run_scoped3A : memref<!tpu.dma_semaphore, #tpu.memory_space<semaphore_mem>>)
        %dma_wait3A_138 = arith.constant 0 : i32
        %dma_wait3A_139 = tpu.memref_slice %arg17[%add3A_129, %dma_wait3A_138] : memref<10240x128xf32, #tpu.memory_space<vmem_shared>> -> memref<128x128xf32, #tpu.memory_space<vmem_shared>>
        %dma_wait3A_140 = arith.constant 0 : i32
        %dma_wait3A_141 = tpu.memref_slice %arg17[%add3A_129, %dma_wait3A_140] : memref<10240x128xf32, #tpu.memory_space<vmem_shared>> -> memref<128x128xf32, #tpu.memory_space<vmem_shared>>
        tpu.wait_dma2 semaphore(%run_scoped3A : memref<!tpu.dma_semaphore, #tpu.memory_space<semaphore_mem>>) src(%dma_wait3A_141 : memref<128x128xf32, #tpu.memory_space<vmem_shared>>) dst(%arg13 : memref<128x128xf32, #tpu.memory_space<vmem>>)
        tpu.yield
      }) : () -> ()
      "tpu.region"() ({
        %run_scoped3A = tpu.sem_alloc : memref<!tpu.dma_semaphore, #tpu.memory_space<semaphore_mem>>
        %dma_start3A_134 = arith.constant 0 : i32
        %dma_start3A_135 = tpu.memref_slice %arg7[%add3A_129, %dma_start3A_134] : memref<10240x128xf32, #tpu.memory_space<hbm>> -> memref<128x128xf32, #tpu.memory_space<hbm>>
        %dma_start3A_136 = arith.constant 0 : i32
        %dma_start3A_137 = tpu.memref_slice %arg7[%add3A_129, %dma_start3A_136] : memref<10240x128xf32, #tpu.memory_space<hbm>> -> memref<128x128xf32, #tpu.memory_space<hbm>>
        tpu.enqueue_dma source(%arg13 : memref<128x128xf32, #tpu.memory_space<vmem>>) target(%dma_start3A_137 : memref<128x128xf32, #tpu.memory_space<hbm>>) target_semaphore(%run_scoped3A : memref<!tpu.dma_semaphore, #tpu.memory_space<semaphore_mem>>)
        %dma_wait3A_138 = arith.constant 0 : i32
        %dma_wait3A_139 = tpu.memref_slice %arg7[%add3A_129, %dma_wait3A_138] : memref<10240x128xf32, #tpu.memory_space<hbm>> -> memref<128x128xf32, #tpu.memory_space<hbm>>
        %dma_wait3A_140 = arith.constant 0 : i32
        %dma_wait3A_141 = tpu.memref_slice %arg7[%add3A_129, %dma_wait3A_140] : memref<10240x128xf32, #tpu.memory_space<hbm>> -> memref<128x128xf32, #tpu.memory_space<hbm>>
        tpu.wait_dma2 semaphore(%run_scoped3A : memref<!tpu.dma_semaphore, #tpu.memory_space<semaphore_mem>>) src(%arg13 : memref<128x128xf32, #tpu.memory_space<vmem>>) dst(%dma_wait3A_141 : memref<128x128xf32, #tpu.memory_space<hbm>>)
        tpu.yield
      }) : () -> ()
      %add3A_130 = arith.constant 384 : i32
      %add3A_131 = arith.addi %mul3A_0, %add3A_130 : i32
      "tpu.region"() ({
        %run_scoped3A = tpu.sem_alloc : memref<!tpu.dma_semaphore, #tpu.memory_space<semaphore_mem>>
        %dma_start3A_134 = arith.constant 0 : i32
        %dma_start3A_135 = tpu.memref_slice %arg17[%add3A_131, %dma_start3A_134] : memref<10240x128xf32, #tpu.memory_space<vmem_shared>> -> memref<128x128xf32, #tpu.memory_space<vmem_shared>>
        %dma_start3A_136 = arith.constant 0 : i32
        %dma_start3A_137 = tpu.memref_slice %arg17[%add3A_131, %dma_start3A_136] : memref<10240x128xf32, #tpu.memory_space<vmem_shared>> -> memref<128x128xf32, #tpu.memory_space<vmem_shared>>
        tpu.enqueue_dma source(%dma_start3A_137 : memref<128x128xf32, #tpu.memory_space<vmem_shared>>) target(%arg13 : memref<128x128xf32, #tpu.memory_space<vmem>>) target_semaphore(%run_scoped3A : memref<!tpu.dma_semaphore, #tpu.memory_space<semaphore_mem>>)
        %dma_wait3A_138 = arith.constant 0 : i32
        %dma_wait3A_139 = tpu.memref_slice %arg17[%add3A_131, %dma_wait3A_138] : memref<10240x128xf32, #tpu.memory_space<vmem_shared>> -> memref<128x128xf32, #tpu.memory_space<vmem_shared>>
        %dma_wait3A_140 = arith.constant 0 : i32
        %dma_wait3A_141 = tpu.memref_slice %arg17[%add3A_131, %dma_wait3A_140] : memref<10240x128xf32, #tpu.memory_space<vmem_shared>> -> memref<128x128xf32, #tpu.memory_space<vmem_shared>>
        tpu.wait_dma2 semaphore(%run_scoped3A : memref<!tpu.dma_semaphore, #tpu.memory_space<semaphore_mem>>) src(%dma_wait3A_141 : memref<128x128xf32, #tpu.memory_space<vmem_shared>>) dst(%arg13 : memref<128x128xf32, #tpu.memory_space<vmem>>)
        tpu.yield
      }) : () -> ()
      "tpu.region"() ({
        %run_scoped3A = tpu.sem_alloc : memref<!tpu.dma_semaphore, #tpu.memory_space<semaphore_mem>>
        %dma_start3A_134 = arith.constant 0 : i32
        %dma_start3A_135 = tpu.memref_slice %arg7[%add3A_131, %dma_start3A_134] : memref<10240x128xf32, #tpu.memory_space<hbm>> -> memref<128x128xf32, #tpu.memory_space<hbm>>
        %dma_start3A_136 = arith.constant 0 : i32
        %dma_start3A_137 = tpu.memref_slice %arg7[%add3A_131, %dma_start3A_136] : memref<10240x128xf32, #tpu.memory_space<hbm>> -> memref<128x128xf32, #tpu.memory_space<hbm>>
        tpu.enqueue_dma source(%arg13 : memref<128x128xf32, #tpu.memory_space<vmem>>) target(%dma_start3A_137 : memref<128x128xf32, #tpu.memory_space<hbm>>) target_semaphore(%run_scoped3A : memref<!tpu.dma_semaphore, #tpu.memory_space<semaphore_mem>>)
        %dma_wait3A_138 = arith.constant 0 : i32
        %dma_wait3A_139 = tpu.memref_slice %arg7[%add3A_131, %dma_wait3A_138] : memref<10240x128xf32, #tpu.memory_space<hbm>> -> memref<128x128xf32, #tpu.memory_space<hbm>>
        %dma_wait3A_140 = arith.constant 0 : i32
        %dma_wait3A_141 = tpu.memref_slice %arg7[%add3A_131, %dma_wait3A_140] : memref<10240x128xf32, #tpu.memory_space<hbm>> -> memref<128x128xf32, #tpu.memory_space<hbm>>
        tpu.wait_dma2 semaphore(%run_scoped3A : memref<!tpu.dma_semaphore, #tpu.memory_space<semaphore_mem>>) src(%arg13 : memref<128x128xf32, #tpu.memory_space<vmem>>) dst(%dma_wait3A_141 : memref<128x128xf32, #tpu.memory_space<hbm>>)
        tpu.yield
      }) : () -> ()
      %add3A_132 = arith.constant 512 : i32
      %add3A_133 = arith.addi %mul3A_0, %add3A_132 : i32
      "tpu.region"() ({
        %run_scoped3A = tpu.sem_alloc : memref<!tpu.dma_semaphore, #tpu.memory_space<semaphore_mem>>
        %dma_start3A_134 = arith.constant 0 : i32
        %dma_start3A_135 = tpu.memref_slice %arg17[%add3A_133, %dma_start3A_134] : memref<10240x128xf32, #tpu.memory_space<vmem_shared>> -> memref<128x128xf32, #tpu.memory_space<vmem_shared>>
        %dma_start3A_136 = arith.constant 0 : i32
        %dma_start3A_137 = tpu.memref_slice %arg17[%add3A_133, %dma_start3A_136] : memref<10240x128xf32, #tpu.memory_space<vmem_shared>> -> memref<128x128xf32, #tpu.memory_space<vmem_shared>>
        tpu.enqueue_dma source(%dma_start3A_137 : memref<128x128xf32, #tpu.memory_space<vmem_shared>>) target(%arg13 : memref<128x128xf32, #tpu.memory_space<vmem>>) target_semaphore(%run_scoped3A : memref<!tpu.dma_semaphore, #tpu.memory_space<semaphore_mem>>)
        %dma_wait3A_138 = arith.constant 0 : i32
        %dma_wait3A_139 = tpu.memref_slice %arg17[%add3A_133, %dma_wait3A_138] : memref<10240x128xf32, #tpu.memory_space<vmem_shared>> -> memref<128x128xf32, #tpu.memory_space<vmem_shared>>
        %dma_wait3A_140 = arith.constant 0 : i32
        %dma_wait3A_141 = tpu.memref_slice %arg17[%add3A_133, %dma_wait3A_140] : memref<10240x128xf32, #tpu.memory_space<vmem_shared>> -> memref<128x128xf32, #tpu.memory_space<vmem_shared>>
        tpu.wait_dma2 semaphore(%run_scoped3A : memref<!tpu.dma_semaphore, #tpu.memory_space<semaphore_mem>>) src(%dma_wait3A_141 : memref<128x128xf32, #tpu.memory_space<vmem_shared>>) dst(%arg13 : memref<128x128xf32, #tpu.memory_space<vmem>>)
        tpu.yield
      }) : () -> ()
      "tpu.region"() ({
        %run_scoped3A = tpu.sem_alloc : memref<!tpu.dma_semaphore, #tpu.memory_space<semaphore_mem>>
        %dma_start3A_134 = arith.constant 0 : i32
        %dma_start3A_135 = tpu.memref_slice %arg7[%add3A_133, %dma_start3A_134] : memref<10240x128xf32, #tpu.memory_space<hbm>> -> memref<128x128xf32, #tpu.memory_space<hbm>>
        %dma_start3A_136 = arith.constant 0 : i32
        %dma_start3A_137 = tpu.memref_slice %arg7[%add3A_133, %dma_start3A_136] : memref<10240x128xf32, #tpu.memory_space<hbm>> -> memref<128x128xf32, #tpu.memory_space<hbm>>
        tpu.enqueue_dma source(%arg13 : memref<128x128xf32, #tpu.memory_space<vmem>>) target(%dma_start3A_137 : memref<128x128xf32, #tpu.memory_space<hbm>>) target_semaphore(%run_scoped3A : memref<!tpu.dma_semaphore, #tpu.memory_space<semaphore_mem>>)
        %dma_wait3A_138 = arith.constant 0 : i32
        %dma_wait3A_139 = tpu.memref_slice %arg7[%add3A_133, %dma_wait3A_138] : memref<10240x128xf32, #tpu.memory_space<hbm>> -> memref<128x128xf32, #tpu.memory_space<hbm>>
        %dma_wait3A_140 = arith.constant 0 : i32
        %dma_wait3A_141 = tpu.memref_slice %arg7[%add3A_133, %dma_wait3A_140] : memref<10240x128xf32, #tpu.memory_space<hbm>> -> memref<128x128xf32, #tpu.memory_space<hbm>>
        tpu.wait_dma2 semaphore(%run_scoped3A : memref<!tpu.dma_semaphore, #tpu.memory_space<semaphore_mem>>) src(%arg13 : memref<128x128xf32, #tpu.memory_space<vmem>>) dst(%dma_wait3A_141 : memref<128x128xf32, #tpu.memory_space<hbm>>)
        tpu.yield
      }) : () -> ()
      "tpu.region"() ({
        %run_scoped3A = tpu.sem_alloc : memref<!tpu.dma_semaphore, #tpu.memory_space<semaphore_mem>>
        %dma_start3A_134 = tpu.memref_slice %arg18[%mul3A_0] : memref<10240xf32, #tpu.memory_space<vmem_shared>> -> memref<640xf32, #tpu.memory_space<vmem_shared>>
        %dma_start3A_135 = tpu.memref_slice %arg18[%mul3A_0] : memref<10240xf32, #tpu.memory_space<vmem_shared>> -> memref<640xf32, #tpu.memory_space<vmem_shared>>
        tpu.enqueue_dma source(%dma_start3A_135 : memref<640xf32, #tpu.memory_space<vmem_shared>>) target(%arg16 : memref<640xf32, #tpu.memory_space<vmem>>) target_semaphore(%run_scoped3A : memref<!tpu.dma_semaphore, #tpu.memory_space<semaphore_mem>>)
        %dma_wait3A_136 = tpu.memref_slice %arg18[%mul3A_0] : memref<10240xf32, #tpu.memory_space<vmem_shared>> -> memref<640xf32, #tpu.memory_space<vmem_shared>>
        %dma_wait3A_137 = tpu.memref_slice %arg18[%mul3A_0] : memref<10240xf32, #tpu.memory_space<vmem_shared>> -> memref<640xf32, #tpu.memory_space<vmem_shared>>
        tpu.wait_dma2 semaphore(%run_scoped3A : memref<!tpu.dma_semaphore, #tpu.memory_space<semaphore_mem>>) src(%dma_wait3A_137 : memref<640xf32, #tpu.memory_space<vmem_shared>>) dst(%arg16 : memref<640xf32, #tpu.memory_space<vmem>>)
        tpu.yield
      }) : () -> ()
      "tpu.region"() ({
        %run_scoped3A = tpu.sem_alloc : memref<!tpu.dma_semaphore, #tpu.memory_space<semaphore_mem>>
        %dma_start3A_134 = tpu.memref_slice %arg9[%mul3A_0] : memref<10240xf32, #tpu.memory_space<hbm>> -> memref<640xf32, #tpu.memory_space<hbm>>
        %dma_start3A_135 = tpu.memref_slice %arg9[%mul3A_0] : memref<10240xf32, #tpu.memory_space<hbm>> -> memref<640xf32, #tpu.memory_space<hbm>>
        tpu.enqueue_dma source(%arg16 : memref<640xf32, #tpu.memory_space<vmem>>) target(%dma_start3A_135 : memref<640xf32, #tpu.memory_space<hbm>>) target_semaphore(%run_scoped3A : memref<!tpu.dma_semaphore, #tpu.memory_space<semaphore_mem>>)
        %dma_wait3A_136 = tpu.memref_slice %arg9[%mul3A_0] : memref<10240xf32, #tpu.memory_space<hbm>> -> memref<640xf32, #tpu.memory_space<hbm>>
        %dma_wait3A_137 = tpu.memref_slice %arg9[%mul3A_0] : memref<10240xf32, #tpu.memory_space<hbm>> -> memref<640xf32, #tpu.memory_space<hbm>>
        tpu.wait_dma2 semaphore(%run_scoped3A : memref<!tpu.dma_semaphore, #tpu.memory_space<semaphore_mem>>) src(%arg16 : memref<640xf32, #tpu.memory_space<vmem>>) dst(%dma_wait3A_137 : memref<640xf32, #tpu.memory_space<hbm>>)
        tpu.yield
      }) : () -> ()
    } else {
    }
    %eq3A_119 = arith.constant 1 : i32
    %eq3A_120 = arith.cmpi eq, %arg0, %eq3A_119 : i32
    %convert_element_type3A_121 = arith.extui %eq3A_120 : i1 to i32
    %cond3A_122 = arith.constant 0 : i32
    %cond3A_123 = arith.cmpi ne, %convert_element_type3A_121, %cond3A_122 : i32
    scf.if %cond3A_123 {
      %add3A_124 = arith.constant 0 : i32
      %add3A_125 = arith.addi %mul3A_0, %add3A_124 : i32
      "tpu.region"() ({
        %run_scoped3A = tpu.sem_alloc : memref<!tpu.dma_semaphore, #tpu.memory_space<semaphore_mem>>
        %dma_start3A_134 = arith.constant 0 : i32
        %dma_start3A_135 = tpu.memref_slice %arg17[%add3A_125, %dma_start3A_134] : memref<10240x128xf32, #tpu.memory_space<vmem_shared>> -> memref<128x128xf32, #tpu.memory_space<vmem_shared>>
        %dma_start3A_136 = arith.constant 0 : i32
        %dma_start3A_137 = tpu.memref_slice %arg17[%add3A_125, %dma_start3A_136] : memref<10240x128xf32, #tpu.memory_space<vmem_shared>> -> memref<128x128xf32, #tpu.memory_space<vmem_shared>>
        tpu.enqueue_dma source(%dma_start3A_137 : memref<128x128xf32, #tpu.memory_space<vmem_shared>>) target(%arg13 : memref<128x128xf32, #tpu.memory_space<vmem>>) target_semaphore(%run_scoped3A : memref<!tpu.dma_semaphore, #tpu.memory_space<semaphore_mem>>)
        %dma_wait3A_138 = arith.constant 0 : i32
        %dma_wait3A_139 = tpu.memref_slice %arg17[%add3A_125, %dma_wait3A_138] : memref<10240x128xf32, #tpu.memory_space<vmem_shared>> -> memref<128x128xf32, #tpu.memory_space<vmem_shared>>
        %dma_wait3A_140 = arith.constant 0 : i32
        %dma_wait3A_141 = tpu.memref_slice %arg17[%add3A_125, %dma_wait3A_140] : memref<10240x128xf32, #tpu.memory_space<vmem_shared>> -> memref<128x128xf32, #tpu.memory_space<vmem_shared>>
        tpu.wait_dma2 semaphore(%run_scoped3A : memref<!tpu.dma_semaphore, #tpu.memory_space<semaphore_mem>>) src(%dma_wait3A_141 : memref<128x128xf32, #tpu.memory_space<vmem_shared>>) dst(%arg13 : memref<128x128xf32, #tpu.memory_space<vmem>>)
        tpu.yield
      }) : () -> ()
      "tpu.region"() ({
        %run_scoped3A = tpu.sem_alloc : memref<!tpu.dma_semaphore, #tpu.memory_space<semaphore_mem>>
        %dma_start3A_134 = arith.constant 0 : i32
        %dma_start3A_135 = tpu.memref_slice %arg8[%add3A_125, %dma_start3A_134] : memref<10240x128xf32, #tpu.memory_space<hbm>> -> memref<128x128xf32, #tpu.memory_space<hbm>>
        %dma_start3A_136 = arith.constant 0 : i32
        %dma_start3A_137 = tpu.memref_slice %arg8[%add3A_125, %dma_start3A_136] : memref<10240x128xf32, #tpu.memory_space<hbm>> -> memref<128x128xf32, #tpu.memory_space<hbm>>
        tpu.enqueue_dma source(%arg13 : memref<128x128xf32, #tpu.memory_space<vmem>>) target(%dma_start3A_137 : memref<128x128xf32, #tpu.memory_space<hbm>>) target_semaphore(%run_scoped3A : memref<!tpu.dma_semaphore, #tpu.memory_space<semaphore_mem>>)
        %dma_wait3A_138 = arith.constant 0 : i32
        %dma_wait3A_139 = tpu.memref_slice %arg8[%add3A_125, %dma_wait3A_138] : memref<10240x128xf32, #tpu.memory_space<hbm>> -> memref<128x128xf32, #tpu.memory_space<hbm>>
        %dma_wait3A_140 = arith.constant 0 : i32
        %dma_wait3A_141 = tpu.memref_slice %arg8[%add3A_125, %dma_wait3A_140] : memref<10240x128xf32, #tpu.memory_space<hbm>> -> memref<128x128xf32, #tpu.memory_space<hbm>>
        tpu.wait_dma2 semaphore(%run_scoped3A : memref<!tpu.dma_semaphore, #tpu.memory_space<semaphore_mem>>) src(%arg13 : memref<128x128xf32, #tpu.memory_space<vmem>>) dst(%dma_wait3A_141 : memref<128x128xf32, #tpu.memory_space<hbm>>)
        tpu.yield
      }) : () -> ()
      %add3A_126 = arith.constant 128 : i32
      %add3A_127 = arith.addi %mul3A_0, %add3A_126 : i32
      "tpu.region"() ({
        %run_scoped3A = tpu.sem_alloc : memref<!tpu.dma_semaphore, #tpu.memory_space<semaphore_mem>>
        %dma_start3A_134 = arith.constant 0 : i32
        %dma_start3A_135 = tpu.memref_slice %arg17[%add3A_127, %dma_start3A_134] : memref<10240x128xf32, #tpu.memory_space<vmem_shared>> -> memref<128x128xf32, #tpu.memory_space<vmem_shared>>
        %dma_start3A_136 = arith.constant 0 : i32
        %dma_start3A_137 = tpu.memref_slice %arg17[%add3A_127, %dma_start3A_136] : memref<10240x128xf32, #tpu.memory_space<vmem_shared>> -> memref<128x128xf32, #tpu.memory_space<vmem_shared>>
        tpu.enqueue_dma source(%dma_start3A_137 : memref<128x128xf32, #tpu.memory_space<vmem_shared>>) target(%arg13 : memref<128x128xf32, #tpu.memory_space<vmem>>) target_semaphore(%run_scoped3A : memref<!tpu.dma_semaphore, #tpu.memory_space<semaphore_mem>>)
        %dma_wait3A_138 = arith.constant 0 : i32
        %dma_wait3A_139 = tpu.memref_slice %arg17[%add3A_127, %dma_wait3A_138] : memref<10240x128xf32, #tpu.memory_space<vmem_shared>> -> memref<128x128xf32, #tpu.memory_space<vmem_shared>>
        %dma_wait3A_140 = arith.constant 0 : i32
        %dma_wait3A_141 = tpu.memref_slice %arg17[%add3A_127, %dma_wait3A_140] : memref<10240x128xf32, #tpu.memory_space<vmem_shared>> -> memref<128x128xf32, #tpu.memory_space<vmem_shared>>
        tpu.wait_dma2 semaphore(%run_scoped3A : memref<!tpu.dma_semaphore, #tpu.memory_space<semaphore_mem>>) src(%dma_wait3A_141 : memref<128x128xf32, #tpu.memory_space<vmem_shared>>) dst(%arg13 : memref<128x128xf32, #tpu.memory_space<vmem>>)
        tpu.yield
      }) : () -> ()
      "tpu.region"() ({
        %run_scoped3A = tpu.sem_alloc : memref<!tpu.dma_semaphore, #tpu.memory_space<semaphore_mem>>
        %dma_start3A_134 = arith.constant 0 : i32
        %dma_start3A_135 = tpu.memref_slice %arg8[%add3A_127, %dma_start3A_134] : memref<10240x128xf32, #tpu.memory_space<hbm>> -> memref<128x128xf32, #tpu.memory_space<hbm>>
        %dma_start3A_136 = arith.constant 0 : i32
        %dma_start3A_137 = tpu.memref_slice %arg8[%add3A_127, %dma_start3A_136] : memref<10240x128xf32, #tpu.memory_space<hbm>> -> memref<128x128xf32, #tpu.memory_space<hbm>>
        tpu.enqueue_dma source(%arg13 : memref<128x128xf32, #tpu.memory_space<vmem>>) target(%dma_start3A_137 : memref<128x128xf32, #tpu.memory_space<hbm>>) target_semaphore(%run_scoped3A : memref<!tpu.dma_semaphore, #tpu.memory_space<semaphore_mem>>)
        %dma_wait3A_138 = arith.constant 0 : i32
        %dma_wait3A_139 = tpu.memref_slice %arg8[%add3A_127, %dma_wait3A_138] : memref<10240x128xf32, #tpu.memory_space<hbm>> -> memref<128x128xf32, #tpu.memory_space<hbm>>
        %dma_wait3A_140 = arith.constant 0 : i32
        %dma_wait3A_141 = tpu.memref_slice %arg8[%add3A_127, %dma_wait3A_140] : memref<10240x128xf32, #tpu.memory_space<hbm>> -> memref<128x128xf32, #tpu.memory_space<hbm>>
        tpu.wait_dma2 semaphore(%run_scoped3A : memref<!tpu.dma_semaphore, #tpu.memory_space<semaphore_mem>>) src(%arg13 : memref<128x128xf32, #tpu.memory_space<vmem>>) dst(%dma_wait3A_141 : memref<128x128xf32, #tpu.memory_space<hbm>>)
        tpu.yield
      }) : () -> ()
      %add3A_128 = arith.constant 256 : i32
      %add3A_129 = arith.addi %mul3A_0, %add3A_128 : i32
      "tpu.region"() ({
        %run_scoped3A = tpu.sem_alloc : memref<!tpu.dma_semaphore, #tpu.memory_space<semaphore_mem>>
        %dma_start3A_134 = arith.constant 0 : i32
        %dma_start3A_135 = tpu.memref_slice %arg17[%add3A_129, %dma_start3A_134] : memref<10240x128xf32, #tpu.memory_space<vmem_shared>> -> memref<128x128xf32, #tpu.memory_space<vmem_shared>>
        %dma_start3A_136 = arith.constant 0 : i32
        %dma_start3A_137 = tpu.memref_slice %arg17[%add3A_129, %dma_start3A_136] : memref<10240x128xf32, #tpu.memory_space<vmem_shared>> -> memref<128x128xf32, #tpu.memory_space<vmem_shared>>
        tpu.enqueue_dma source(%dma_start3A_137 : memref<128x128xf32, #tpu.memory_space<vmem_shared>>) target(%arg13 : memref<128x128xf32, #tpu.memory_space<vmem>>) target_semaphore(%run_scoped3A : memref<!tpu.dma_semaphore, #tpu.memory_space<semaphore_mem>>)
        %dma_wait3A_138 = arith.constant 0 : i32
        %dma_wait3A_139 = tpu.memref_slice %arg17[%add3A_129, %dma_wait3A_138] : memref<10240x128xf32, #tpu.memory_space<vmem_shared>> -> memref<128x128xf32, #tpu.memory_space<vmem_shared>>
        %dma_wait3A_140 = arith.constant 0 : i32
        %dma_wait3A_141 = tpu.memref_slice %arg17[%add3A_129, %dma_wait3A_140] : memref<10240x128xf32, #tpu.memory_space<vmem_shared>> -> memref<128x128xf32, #tpu.memory_space<vmem_shared>>
        tpu.wait_dma2 semaphore(%run_scoped3A : memref<!tpu.dma_semaphore, #tpu.memory_space<semaphore_mem>>) src(%dma_wait3A_141 : memref<128x128xf32, #tpu.memory_space<vmem_shared>>) dst(%arg13 : memref<128x128xf32, #tpu.memory_space<vmem>>)
        tpu.yield
      }) : () -> ()
      "tpu.region"() ({
        %run_scoped3A = tpu.sem_alloc : memref<!tpu.dma_semaphore, #tpu.memory_space<semaphore_mem>>
        %dma_start3A_134 = arith.constant 0 : i32
        %dma_start3A_135 = tpu.memref_slice %arg8[%add3A_129, %dma_start3A_134] : memref<10240x128xf32, #tpu.memory_space<hbm>> -> memref<128x128xf32, #tpu.memory_space<hbm>>
        %dma_start3A_136 = arith.constant 0 : i32
        %dma_start3A_137 = tpu.memref_slice %arg8[%add3A_129, %dma_start3A_136] : memref<10240x128xf32, #tpu.memory_space<hbm>> -> memref<128x128xf32, #tpu.memory_space<hbm>>
        tpu.enqueue_dma source(%arg13 : memref<128x128xf32, #tpu.memory_space<vmem>>) target(%dma_start3A_137 : memref<128x128xf32, #tpu.memory_space<hbm>>) target_semaphore(%run_scoped3A : memref<!tpu.dma_semaphore, #tpu.memory_space<semaphore_mem>>)
        %dma_wait3A_138 = arith.constant 0 : i32
        %dma_wait3A_139 = tpu.memref_slice %arg8[%add3A_129, %dma_wait3A_138] : memref<10240x128xf32, #tpu.memory_space<hbm>> -> memref<128x128xf32, #tpu.memory_space<hbm>>
        %dma_wait3A_140 = arith.constant 0 : i32
        %dma_wait3A_141 = tpu.memref_slice %arg8[%add3A_129, %dma_wait3A_140] : memref<10240x128xf32, #tpu.memory_space<hbm>> -> memref<128x128xf32, #tpu.memory_space<hbm>>
        tpu.wait_dma2 semaphore(%run_scoped3A : memref<!tpu.dma_semaphore, #tpu.memory_space<semaphore_mem>>) src(%arg13 : memref<128x128xf32, #tpu.memory_space<vmem>>) dst(%dma_wait3A_141 : memref<128x128xf32, #tpu.memory_space<hbm>>)
        tpu.yield
      }) : () -> ()
      %add3A_130 = arith.constant 384 : i32
      %add3A_131 = arith.addi %mul3A_0, %add3A_130 : i32
      "tpu.region"() ({
        %run_scoped3A = tpu.sem_alloc : memref<!tpu.dma_semaphore, #tpu.memory_space<semaphore_mem>>
        %dma_start3A_134 = arith.constant 0 : i32
        %dma_start3A_135 = tpu.memref_slice %arg17[%add3A_131, %dma_start3A_134] : memref<10240x128xf32, #tpu.memory_space<vmem_shared>> -> memref<128x128xf32, #tpu.memory_space<vmem_shared>>
        %dma_start3A_136 = arith.constant 0 : i32
        %dma_start3A_137 = tpu.memref_slice %arg17[%add3A_131, %dma_start3A_136] : memref<10240x128xf32, #tpu.memory_space<vmem_shared>> -> memref<128x128xf32, #tpu.memory_space<vmem_shared>>
        tpu.enqueue_dma source(%dma_start3A_137 : memref<128x128xf32, #tpu.memory_space<vmem_shared>>) target(%arg13 : memref<128x128xf32, #tpu.memory_space<vmem>>) target_semaphore(%run_scoped3A : memref<!tpu.dma_semaphore, #tpu.memory_space<semaphore_mem>>)
        %dma_wait3A_138 = arith.constant 0 : i32
        %dma_wait3A_139 = tpu.memref_slice %arg17[%add3A_131, %dma_wait3A_138] : memref<10240x128xf32, #tpu.memory_space<vmem_shared>> -> memref<128x128xf32, #tpu.memory_space<vmem_shared>>
        %dma_wait3A_140 = arith.constant 0 : i32
        %dma_wait3A_141 = tpu.memref_slice %arg17[%add3A_131, %dma_wait3A_140] : memref<10240x128xf32, #tpu.memory_space<vmem_shared>> -> memref<128x128xf32, #tpu.memory_space<vmem_shared>>
        tpu.wait_dma2 semaphore(%run_scoped3A : memref<!tpu.dma_semaphore, #tpu.memory_space<semaphore_mem>>) src(%dma_wait3A_141 : memref<128x128xf32, #tpu.memory_space<vmem_shared>>) dst(%arg13 : memref<128x128xf32, #tpu.memory_space<vmem>>)
        tpu.yield
      }) : () -> ()
      "tpu.region"() ({
        %run_scoped3A = tpu.sem_alloc : memref<!tpu.dma_semaphore, #tpu.memory_space<semaphore_mem>>
        %dma_start3A_134 = arith.constant 0 : i32
        %dma_start3A_135 = tpu.memref_slice %arg8[%add3A_131, %dma_start3A_134] : memref<10240x128xf32, #tpu.memory_space<hbm>> -> memref<128x128xf32, #tpu.memory_space<hbm>>
        %dma_start3A_136 = arith.constant 0 : i32
        %dma_start3A_137 = tpu.memref_slice %arg8[%add3A_131, %dma_start3A_136] : memref<10240x128xf32, #tpu.memory_space<hbm>> -> memref<128x128xf32, #tpu.memory_space<hbm>>
        tpu.enqueue_dma source(%arg13 : memref<128x128xf32, #tpu.memory_space<vmem>>) target(%dma_start3A_137 : memref<128x128xf32, #tpu.memory_space<hbm>>) target_semaphore(%run_scoped3A : memref<!tpu.dma_semaphore, #tpu.memory_space<semaphore_mem>>)
        %dma_wait3A_138 = arith.constant 0 : i32
        %dma_wait3A_139 = tpu.memref_slice %arg8[%add3A_131, %dma_wait3A_138] : memref<10240x128xf32, #tpu.memory_space<hbm>> -> memref<128x128xf32, #tpu.memory_space<hbm>>
        %dma_wait3A_140 = arith.constant 0 : i32
        %dma_wait3A_141 = tpu.memref_slice %arg8[%add3A_131, %dma_wait3A_140] : memref<10240x128xf32, #tpu.memory_space<hbm>> -> memref<128x128xf32, #tpu.memory_space<hbm>>
        tpu.wait_dma2 semaphore(%run_scoped3A : memref<!tpu.dma_semaphore, #tpu.memory_space<semaphore_mem>>) src(%arg13 : memref<128x128xf32, #tpu.memory_space<vmem>>) dst(%dma_wait3A_141 : memref<128x128xf32, #tpu.memory_space<hbm>>)
        tpu.yield
      }) : () -> ()
      %add3A_132 = arith.constant 512 : i32
      %add3A_133 = arith.addi %mul3A_0, %add3A_132 : i32
      "tpu.region"() ({
        %run_scoped3A = tpu.sem_alloc : memref<!tpu.dma_semaphore, #tpu.memory_space<semaphore_mem>>
        %dma_start3A_134 = arith.constant 0 : i32
        %dma_start3A_135 = tpu.memref_slice %arg17[%add3A_133, %dma_start3A_134] : memref<10240x128xf32, #tpu.memory_space<vmem_shared>> -> memref<128x128xf32, #tpu.memory_space<vmem_shared>>
        %dma_start3A_136 = arith.constant 0 : i32
        %dma_start3A_137 = tpu.memref_slice %arg17[%add3A_133, %dma_start3A_136] : memref<10240x128xf32, #tpu.memory_space<vmem_shared>> -> memref<128x128xf32, #tpu.memory_space<vmem_shared>>
        tpu.enqueue_dma source(%dma_start3A_137 : memref<128x128xf32, #tpu.memory_space<vmem_shared>>) target(%arg13 : memref<128x128xf32, #tpu.memory_space<vmem>>) target_semaphore(%run_scoped3A : memref<!tpu.dma_semaphore, #tpu.memory_space<semaphore_mem>>)
        %dma_wait3A_138 = arith.constant 0 : i32
        %dma_wait3A_139 = tpu.memref_slice %arg17[%add3A_133, %dma_wait3A_138] : memref<10240x128xf32, #tpu.memory_space<vmem_shared>> -> memref<128x128xf32, #tpu.memory_space<vmem_shared>>
        %dma_wait3A_140 = arith.constant 0 : i32
        %dma_wait3A_141 = tpu.memref_slice %arg17[%add3A_133, %dma_wait3A_140] : memref<10240x128xf32, #tpu.memory_space<vmem_shared>> -> memref<128x128xf32, #tpu.memory_space<vmem_shared>>
        tpu.wait_dma2 semaphore(%run_scoped3A : memref<!tpu.dma_semaphore, #tpu.memory_space<semaphore_mem>>) src(%dma_wait3A_141 : memref<128x128xf32, #tpu.memory_space<vmem_shared>>) dst(%arg13 : memref<128x128xf32, #tpu.memory_space<vmem>>)
        tpu.yield
      }) : () -> ()
      "tpu.region"() ({
        %run_scoped3A = tpu.sem_alloc : memref<!tpu.dma_semaphore, #tpu.memory_space<semaphore_mem>>
        %dma_start3A_134 = arith.constant 0 : i32
        %dma_start3A_135 = tpu.memref_slice %arg8[%add3A_133, %dma_start3A_134] : memref<10240x128xf32, #tpu.memory_space<hbm>> -> memref<128x128xf32, #tpu.memory_space<hbm>>
        %dma_start3A_136 = arith.constant 0 : i32
        %dma_start3A_137 = tpu.memref_slice %arg8[%add3A_133, %dma_start3A_136] : memref<10240x128xf32, #tpu.memory_space<hbm>> -> memref<128x128xf32, #tpu.memory_space<hbm>>
        tpu.enqueue_dma source(%arg13 : memref<128x128xf32, #tpu.memory_space<vmem>>) target(%dma_start3A_137 : memref<128x128xf32, #tpu.memory_space<hbm>>) target_semaphore(%run_scoped3A : memref<!tpu.dma_semaphore, #tpu.memory_space<semaphore_mem>>)
        %dma_wait3A_138 = arith.constant 0 : i32
        %dma_wait3A_139 = tpu.memref_slice %arg8[%add3A_133, %dma_wait3A_138] : memref<10240x128xf32, #tpu.memory_space<hbm>> -> memref<128x128xf32, #tpu.memory_space<hbm>>
        %dma_wait3A_140 = arith.constant 0 : i32
        %dma_wait3A_141 = tpu.memref_slice %arg8[%add3A_133, %dma_wait3A_140] : memref<10240x128xf32, #tpu.memory_space<hbm>> -> memref<128x128xf32, #tpu.memory_space<hbm>>
        tpu.wait_dma2 semaphore(%run_scoped3A : memref<!tpu.dma_semaphore, #tpu.memory_space<semaphore_mem>>) src(%arg13 : memref<128x128xf32, #tpu.memory_space<vmem>>) dst(%dma_wait3A_141 : memref<128x128xf32, #tpu.memory_space<hbm>>)
        tpu.yield
      }) : () -> ()
      "tpu.region"() ({
        %run_scoped3A = tpu.sem_alloc : memref<!tpu.dma_semaphore, #tpu.memory_space<semaphore_mem>>
        %dma_start3A_134 = tpu.memref_slice %arg18[%mul3A_0] : memref<10240xf32, #tpu.memory_space<vmem_shared>> -> memref<640xf32, #tpu.memory_space<vmem_shared>>
        %dma_start3A_135 = tpu.memref_slice %arg18[%mul3A_0] : memref<10240xf32, #tpu.memory_space<vmem_shared>> -> memref<640xf32, #tpu.memory_space<vmem_shared>>
        tpu.enqueue_dma source(%dma_start3A_135 : memref<640xf32, #tpu.memory_space<vmem_shared>>) target(%arg16 : memref<640xf32, #tpu.memory_space<vmem>>) target_semaphore(%run_scoped3A : memref<!tpu.dma_semaphore, #tpu.memory_space<semaphore_mem>>)
        %dma_wait3A_136 = tpu.memref_slice %arg18[%mul3A_0] : memref<10240xf32, #tpu.memory_space<vmem_shared>> -> memref<640xf32, #tpu.memory_space<vmem_shared>>
        %dma_wait3A_137 = tpu.memref_slice %arg18[%mul3A_0] : memref<10240xf32, #tpu.memory_space<vmem_shared>> -> memref<640xf32, #tpu.memory_space<vmem_shared>>
        tpu.wait_dma2 semaphore(%run_scoped3A : memref<!tpu.dma_semaphore, #tpu.memory_space<semaphore_mem>>) src(%dma_wait3A_137 : memref<640xf32, #tpu.memory_space<vmem_shared>>) dst(%arg16 : memref<640xf32, #tpu.memory_space<vmem>>)
        tpu.yield
      }) : () -> ()
      "tpu.region"() ({
        %run_scoped3A = tpu.sem_alloc : memref<!tpu.dma_semaphore, #tpu.memory_space<semaphore_mem>>
        %dma_start3A_134 = tpu.memref_slice %arg10[%mul3A_0] : memref<10240xf32, #tpu.memory_space<hbm>> -> memref<640xf32, #tpu.memory_space<hbm>>
        %dma_start3A_135 = tpu.memref_slice %arg10[%mul3A_0] : memref<10240xf32, #tpu.memory_space<hbm>> -> memref<640xf32, #tpu.memory_space<hbm>>
        tpu.enqueue_dma source(%arg16 : memref<640xf32, #tpu.memory_space<vmem>>) target(%dma_start3A_135 : memref<640xf32, #tpu.memory_space<hbm>>) target_semaphore(%run_scoped3A : memref<!tpu.dma_semaphore, #tpu.memory_space<semaphore_mem>>)
        %dma_wait3A_136 = tpu.memref_slice %arg10[%mul3A_0] : memref<10240xf32, #tpu.memory_space<hbm>> -> memref<640xf32, #tpu.memory_space<hbm>>
        %dma_wait3A_137 = tpu.memref_slice %arg10[%mul3A_0] : memref<10240xf32, #tpu.memory_space<hbm>> -> memref<640xf32, #tpu.memory_space<hbm>>
        tpu.wait_dma2 semaphore(%run_scoped3A : memref<!tpu.dma_semaphore, #tpu.memory_space<semaphore_mem>>) src(%arg16 : memref<640xf32, #tpu.memory_space<vmem>>) dst(%dma_wait3A_137 : memref<640xf32, #tpu.memory_space<hbm>>)
        tpu.yield
      }) : () -> ()
    } else {
    }
    return
  }
}

module attributes {stable_mosaic.version = 14 : i64} {
  func.func @_pre_body(%arg0: i32, %arg1: memref<512x128xf32, #tpu.memory_space<vmem>>, %arg2: memref<1x128xf32, #tpu.memory_space<vmem>>, %arg3: memref<1x128xf32, #tpu.memory_space<vmem>>, %arg4: memref<128x128xf32, #tpu.memory_space<vmem>>, %arg5: memref<128x128xf32, #tpu.memory_space<vmem>>, %arg6: memref<512x128xf32, #tpu.memory_space<vmem>>, %arg7: memref<512x128xf32, #tpu.memory_space<vmem>>) attributes {dimension_semantics = [#tpu.dimension_semantics<arbitrary>], iteration_bounds = array<i64: 20>, scalar_prefetch = 0 : i64, scratch_operands = 0 : i64, tpu.core_type = #tpu.core_type<tc>, window_params = [{transform_indices = @transform_0, window_bounds = array<i64: 512, 128>}, {pipeline_mode = #tpu.pipeline_mode<synchronous>, transform_indices = @transform_1, window_bounds = array<i64: 1, 128>}, {pipeline_mode = #tpu.pipeline_mode<synchronous>, transform_indices = @transform_2, window_bounds = array<i64: 1, 128>}, {pipeline_mode = #tpu.pipeline_mode<synchronous>, transform_indices = @transform_3, window_bounds = array<i64: 128, 128>}, {pipeline_mode = #tpu.pipeline_mode<synchronous>, transform_indices = @transform_4, window_bounds = array<i64: 128, 128>}, {transform_indices = @transform_5, window_bounds = array<i64: 512, 128>}, {transform_indices = @transform_6, window_bounds = array<i64: 512, 128>}]} {
    %get3A = arith.constant 0 : index
    %get3A_0 = arith.constant 0 : index
    %get3A_1 = vector.load %arg1[%get3A, %get3A_0] : memref<512x128xf32, #tpu.memory_space<vmem>>, vector<512x128xf32>
    %reduce_sum3A = arith.constant dense<0.000000e+00> : vector<512xf32>
    %reduce_sum3A_2 = vector.multi_reduction <add>, %get3A_1, %reduce_sum3A [1] : vector<512x128xf32> to vector<512xf32>
    %broadcast_in_dim3A = vector.shape_cast %reduce_sum3A_2 : vector<512xf32> to vector<512x1xf32>
    %div3A = arith.constant 1.280000e+02 : f32
    %div3A_3 = vector.broadcast %div3A : f32 to vector<512x1xf32>
    %div3A_4 = arith.divf %broadcast_in_dim3A, %div3A_3 : vector<512x1xf32>
    %sub3A = vector.broadcast %div3A_4 : vector<512x1xf32> to vector<512x128xf32>
    %sub3A_5 = arith.subf %get3A_1, %sub3A : vector<512x128xf32>
    %mul3A = arith.mulf %sub3A_5, %sub3A_5 : vector<512x128xf32>
    %reduce_sum3A_6 = arith.constant dense<0.000000e+00> : vector<512xf32>
    %reduce_sum3A_7 = vector.multi_reduction <add>, %mul3A, %reduce_sum3A_6 [1] : vector<512x128xf32> to vector<512xf32>
    %broadcast_in_dim3A_8 = vector.shape_cast %reduce_sum3A_7 : vector<512xf32> to vector<512x1xf32>
    %div3A_9 = arith.constant 1.280000e+02 : f32
    %div3A_10 = vector.broadcast %div3A_9 : f32 to vector<512x1xf32>
    %div3A_11 = arith.divf %broadcast_in_dim3A_8, %div3A_10 : vector<512x1xf32>
    %add3A = arith.constant 9.99999974E-6 : f32
    %add3A_12 = vector.broadcast %add3A : f32 to vector<512x1xf32>
    %add3A_13 = arith.addf %div3A_11, %add3A_12 : vector<512x1xf32>
    %rsqrt3A = math.rsqrt %add3A_13 : vector<512x1xf32>
    %mul3A_14 = vector.broadcast %rsqrt3A : vector<512x1xf32> to vector<512x128xf32>
    %mul3A_15 = arith.mulf %sub3A_5, %mul3A_14 : vector<512x128xf32>
    %get3A_16 = arith.constant 0 : index
    %get3A_17 = arith.constant 0 : index
    %get3A_18 = vector.load %arg2[%get3A_16, %get3A_17] : memref<1x128xf32, #tpu.memory_space<vmem>>, vector<1x128xf32>
    %mul3A_19 = vector.broadcast %get3A_18 : vector<1x128xf32> to vector<512x128xf32>
    %mul3A_20 = arith.mulf %mul3A_15, %mul3A_19 : vector<512x128xf32>
    %get3A_21 = arith.constant 0 : index
    %get3A_22 = arith.constant 0 : index
    %get3A_23 = vector.load %arg3[%get3A_21, %get3A_22] : memref<1x128xf32, #tpu.memory_space<vmem>>, vector<1x128xf32>
    %add3A_24 = vector.broadcast %get3A_23 : vector<1x128xf32> to vector<512x128xf32>
    %add3A_25 = arith.addf %mul3A_20, %add3A_24 : vector<512x128xf32>
    %max3A = arith.constant 0.000000e+00 : f32
    %max3A_26 = vector.broadcast %max3A : f32 to vector<512x128xf32>
    %max3A_27 = arith.maximumf %add3A_25, %max3A_26 : vector<512x128xf32>
    %get3A_28 = arith.constant 0 : index
    %get3A_29 = arith.constant 0 : index
    %get3A_30 = vector.load %arg4[%get3A_28, %get3A_29] : memref<128x128xf32, #tpu.memory_space<vmem>>, vector<128x128xf32>
    %dot_general3A = arith.constant dense<0.000000e+00> : vector<512x128xf32>
    %dot_general3A_31 = tpu.matmul %max3A_27, %get3A_30, %dot_general3A {dimension_numbers = #tpu.dot_dimension_numbers<[1], [0], [0], [1], [0, 0, 1, 1], [], []>, transpose_lhs_hint = false} : vector<512x128xf32>, vector<128x128xf32>, vector<512x128xf32> -> vector<512x128xf32>
    %swap3A = arith.constant 0 : index
    %swap3A_32 = arith.constant 0 : index
    %swap3A_33 = vector.load %arg6[%swap3A, %swap3A_32] : memref<512x128xf32, #tpu.memory_space<vmem>>, vector<512x128xf32>
    tpu.vector_store %arg6[%swap3A, %swap3A_32], %dot_general3A_31 {strides = array<i32>} : memref<512x128xf32, #tpu.memory_space<vmem>>, vector<512x128xf32>,
    %get3A_34 = arith.constant 0 : index
    %get3A_35 = arith.constant 0 : index
    %get3A_36 = vector.load %arg5[%get3A_34, %get3A_35] : memref<128x128xf32, #tpu.memory_space<vmem>>, vector<128x128xf32>
    %dot_general3A_37 = arith.constant dense<0.000000e+00> : vector<512x128xf32>
    %dot_general3A_38 = tpu.matmul %max3A_27, %get3A_36, %dot_general3A_37 {dimension_numbers = #tpu.dot_dimension_numbers<[1], [0], [0], [1], [0, 0, 1, 1], [], []>, transpose_lhs_hint = false} : vector<512x128xf32>, vector<128x128xf32>, vector<512x128xf32> -> vector<512x128xf32>
    %swap3A_39 = arith.constant 0 : index
    %swap3A_40 = arith.constant 0 : index
    %swap3A_41 = vector.load %arg7[%swap3A_39, %swap3A_40] : memref<512x128xf32, #tpu.memory_space<vmem>>, vector<512x128xf32>
    tpu.vector_store %arg7[%swap3A_39, %swap3A_40], %dot_general3A_38 {strides = array<i32>} : memref<512x128xf32, #tpu.memory_space<vmem>>, vector<512x128xf32>,
    return
  }
  func.func @transform_0(%arg0: i32) -> (i32, i32) {
    %c0_i32 = arith.constant 0 : i32
    %c0_i32_0 = arith.constant 0 : i32
    return %arg0, %c0_i32 : i32, i32
  }
  func.func @transform_1(%arg0: i32) -> (i32, i32) {
    %c0_i32 = arith.constant 0 : i32
    %c0_i32_0 = arith.constant 0 : i32
    %c0_i32_1 = arith.constant 0 : i32
    return %c0_i32, %c0_i32_0 : i32, i32
  }
  func.func @transform_2(%arg0: i32) -> (i32, i32) {
    %c0_i32 = arith.constant 0 : i32
    %c0_i32_0 = arith.constant 0 : i32
    %c0_i32_1 = arith.constant 0 : i32
    return %c0_i32, %c0_i32_0 : i32, i32
  }
  func.func @transform_3(%arg0: i32) -> (i32, i32) {
    %c0_i32 = arith.constant 0 : i32
    %c0_i32_0 = arith.constant 0 : i32
    %c0_i32_1 = arith.constant 0 : i32
    return %c0_i32, %c0_i32_0 : i32, i32
  }
  func.func @transform_4(%arg0: i32) -> (i32, i32) {
    %c0_i32 = arith.constant 0 : i32
    %c0_i32_0 = arith.constant 0 : i32
    %c0_i32_1 = arith.constant 0 : i32
    return %c0_i32, %c0_i32_0 : i32, i32
  }
  func.func @transform_5(%arg0: i32) -> (i32, i32) {
    %c0_i32 = arith.constant 0 : i32
    %c0_i32_0 = arith.constant 0 : i32
    return %arg0, %c0_i32 : i32, i32
  }
  func.func @transform_6(%arg0: i32) -> (i32, i32) {
    %c0_i32 = arith.constant 0 : i32
    %c0_i32_0 = arith.constant 0 : i32
    return %arg0, %c0_i32 : i32, i32
  }
}

module attributes {stable_mosaic.version = 14 : i64} {
  func.func @_post_body(%arg0: i32, %arg1: memref<512x128xf32, #tpu.memory_space<vmem>>, %arg2: memref<512x128xf32, #tpu.memory_space<vmem>>, %arg3: memref<512x1xf32, #tpu.memory_space<vmem>>, %arg4: memref<512x1xf32, #tpu.memory_space<vmem>>, %arg5: memref<512x128xf32, #tpu.memory_space<vmem>>, %arg6: memref<1x128xf32, #tpu.memory_space<vmem>>, %arg7: memref<512x128xf32, #tpu.memory_space<vmem>>) attributes {dimension_semantics = [#tpu.dimension_semantics<arbitrary>], iteration_bounds = array<i64: 20>, scalar_prefetch = 0 : i64, scratch_operands = 0 : i64, tpu.core_type = #tpu.core_type<tc>, window_params = [{transform_indices = @transform_0, window_bounds = array<i64: 512, 128>}, {transform_indices = @transform_1, window_bounds = array<i64: 512, 128>}, {transform_indices = @transform_2, window_bounds = array<i64: 512, 1>}, {transform_indices = @transform_3, window_bounds = array<i64: 512, 1>}, {transform_indices = @transform_4, window_bounds = array<i64: 512, 128>}, {pipeline_mode = #tpu.pipeline_mode<synchronous>, transform_indices = @transform_5, window_bounds = array<i64: 1, 128>}, {transform_indices = @transform_6, window_bounds = array<i64: 512, 128>}]} {
    %get3A = arith.constant 0 : index
    %get3A_0 = arith.constant 0 : index
    %get3A_1 = vector.load %arg3[%get3A, %get3A_0] : memref<512x1xf32, #tpu.memory_space<vmem>>, vector<512x1xf32>
    %get3A_2 = arith.constant 0 : index
    %get3A_3 = arith.constant 0 : index
    %get3A_4 = vector.load %arg4[%get3A_2, %get3A_3] : memref<512x1xf32, #tpu.memory_space<vmem>>, vector<512x1xf32>
    %add3A = arith.addf %get3A_1, %get3A_4 : vector<512x1xf32>
    %max3A = arith.constant 1.000000e+00 : f32
    %max3A_5 = vector.broadcast %max3A : f32 to vector<512x1xf32>
    %max3A_6 = arith.maximumf %add3A, %max3A_5 : vector<512x1xf32>
    %get3A_7 = arith.constant 0 : index
    %get3A_8 = arith.constant 0 : index
    %get3A_9 = vector.load %arg1[%get3A_7, %get3A_8] : memref<512x128xf32, #tpu.memory_space<vmem>>, vector<512x128xf32>
    %get3A_10 = arith.constant 0 : index
    %get3A_11 = arith.constant 0 : index
    %get3A_12 = vector.load %arg2[%get3A_10, %get3A_11] : memref<512x128xf32, #tpu.memory_space<vmem>>, vector<512x128xf32>
    %add3A_13 = arith.addf %get3A_9, %get3A_12 : vector<512x128xf32>
    %div3A = vector.broadcast %max3A_6 : vector<512x1xf32> to vector<512x128xf32>
    %div3A_14 = arith.divf %add3A_13, %div3A : vector<512x128xf32>
    %get3A_15 = arith.constant 0 : index
    %get3A_16 = arith.constant 0 : index
    %get3A_17 = vector.load %arg5[%get3A_15, %get3A_16] : memref<512x128xf32, #tpu.memory_space<vmem>>, vector<512x128xf32>
    %add3A_18 = arith.addf %div3A_14, %get3A_17 : vector<512x128xf32>
    %get3A_19 = arith.constant 0 : index
    %get3A_20 = arith.constant 0 : index
    %get3A_21 = vector.load %arg6[%get3A_19, %get3A_20] : memref<1x128xf32, #tpu.memory_space<vmem>>, vector<1x128xf32>
    %add3A_22 = vector.broadcast %get3A_21 : vector<1x128xf32> to vector<512x128xf32>
    %add3A_23 = arith.addf %add3A_18, %add3A_22 : vector<512x128xf32>
    %swap3A = arith.constant 0 : index
    %swap3A_24 = arith.constant 0 : index
    %swap3A_25 = vector.load %arg7[%swap3A, %swap3A_24] : memref<512x128xf32, #tpu.memory_space<vmem>>, vector<512x128xf32>
    tpu.vector_store %arg7[%swap3A, %swap3A_24], %add3A_23 {strides = array<i32>} : memref<512x128xf32, #tpu.memory_space<vmem>>, vector<512x128xf32>,
    return
  }
  func.func @transform_0(%arg0: i32) -> (i32, i32) {
    %c0_i32 = arith.constant 0 : i32
    %c0_i32_0 = arith.constant 0 : i32
    return %arg0, %c0_i32 : i32, i32
  }
  func.func @transform_1(%arg0: i32) -> (i32, i32) {
    %c0_i32 = arith.constant 0 : i32
    %c0_i32_0 = arith.constant 0 : i32
    return %arg0, %c0_i32 : i32, i32
  }
  func.func @transform_2(%arg0: i32) -> (i32, i32) {
    %c0_i32 = arith.constant 0 : i32
    %c0_i32_0 = arith.constant 0 : i32
    return %arg0, %c0_i32 : i32, i32
  }
  func.func @transform_3(%arg0: i32) -> (i32, i32) {
    %c0_i32 = arith.constant 0 : i32
    %c0_i32_0 = arith.constant 0 : i32
    return %arg0, %c0_i32 : i32, i32
  }
  func.func @transform_4(%arg0: i32) -> (i32, i32) {
    %c0_i32 = arith.constant 0 : i32
    %c0_i32_0 = arith.constant 0 : i32
    return %arg0, %c0_i32 : i32, i32
  }
  func.func @transform_5(%arg0: i32) -> (i32, i32) {
    %c0_i32 = arith.constant 0 : i32
    %c0_i32_0 = arith.constant 0 : i32
    %c0_i32_1 = arith.constant 0 : i32
    return %c0_i32, %c0_i32_0 : i32, i32
  }
  func.func @transform_6(%arg0: i32) -> (i32, i32) {
    %c0_i32 = arith.constant 0 : i32
    %c0_i32_0 = arith.constant 0 : i32
    return %arg0, %c0_i32 : i32, i32
  }
}

</mosaic_0001>

<sc_bundles>
// kernel: kernel.5.cloned.1.call-start
scs
__scs_entry_jumppad:
0x0: {  	(pc) =	sbr.rel $0x88, $3  }
0x1: {  	(tag) =	ssettag $0x0;
	lr =	simm.s32 $0x1  }
0x2: {  	[smem:$0x3F9A] =	sst lr;
	_ =	strace $0xD0000000  }
0x3: {  	_ = 	snop  }
0x4: {  	_ = 	snop  }
0x5: {  	_ = 	snop  }
0x6: {  	_ = 	snop  }
0x7: {  	_ = 	snop  }
__scs_overlays_trampoline_lowered:
0x8: {  	[smem:$0x3FA9] =	sst s0  }
0x9: {  	[smem:$0x3FAA] =	sst s1  }
0xa: {  	[smem:$0x3FAB] =	sst s2  }
0xb: {  	[smem:$0x3FAC] =	sst s3  }
0xc: {  	[smem:$0x3FAD] =	sst s4  }
0xd: {  	[smem:$0x3FAE] =	sst s5  }
0xe: {  	[smem:$0x3FAF] =	sst s6  }
0xf: {  	[smem:$0x3FB0] =	sst s7  }
0x10: {  	[smem:$0x3FB1] =	sst s8  }
0x11: {  	[smem:$0x3FB2] =	sst s9;
	s0 =	simm.s32 @!p0 $0x0  }
0x12: {  	s1 =	sld [smem:$0x3F98];
	s0 =	simm.s32 @p0 $0x1  }
0x13: {  	[smem:$0x3FB3] =	sst s0;
	s0 =	simm.s32 @!p1 $0x0  }
0x14: {  	s2 =	sld [smem:$0x3F97];
	s0 =	simm.s32 @p1 $0x1  }
0x15: {  	[smem:$0x3FB4] =	sst s0;
	s0 =	simm.s32 @!p2 $0x0  }
0x16: {  	s3 =	sld [smem:$0x3FDB];
	s0 =	simm.s32 @p2 $0x1  }
0x17: {  	s4 =	simm.s32 $0x1BF5;
	[smem:$0x3FB6] =	sst s0  }
0x18: {  	s0 =	sld [smem:$0x3F99];
	_ =	swait.ge [sflag:s4], $0x0  }
0x19: {  	s7 =	sld [smem:$0x3F9A]  }
0x1a: {  	s8 =	sadd.s32 $0xFFFFE003, lr  }
0x1b: {  	s9 =	sadd.s32 $0xFFFFFEF7, lr;
	s5 =	simm.s32 $0xFFFFFFFF;
	p2 =	slt.u32 s8, $0xFFFFF086  }
0x1c: {  	p1 =	slt.u32 s9, $0xF7A;
	s5 =	simm.s32 @!p2 $0x0  }
0x1d: {  	s5 =	simm.s32 @p1 $0x1;
	p0 =	seq.s32 s7, s2  }
0x1e: {  	s7 =	smul.u32 @!p0 $0xF7A, s2;
	p2 =	seq.s32 @!p0 s5, $0x0  }
0x1f: {  	s9 =	smul.u32 $0xF7A, s1;
	s8 =	simm.s32 @!p0 $0x1BF5;
	p2 =	por !p2, p0  }
0x20: {  	[sflag:s8] =	ssyncset.s32 @!p0 $0xFFFFF086;
	s6 =	sadd.s32 @!p0 s3, s7;
	s7 =	simm.s32 @!p0 $0x108  }
0x21: {  	s3 =	sadd.s32 s3, s9;
	s6 =	sadd.s32 @!p0 $0x88, s6;
	s7 =	simm.s32 @p2 $0x1082  }
0x22: {  	[simem:s7], [sflag:s8] =	dma.local @!p0 [hbm:s6], $0xF7A  }
0x23: {  	s9 =	sor.u32 $0xD0000000, s2;
	s6 =	simm.s32 $0x108;
	_ =	swait.ge @!p0 [sflag:s8], $0x0  }
0x24: {  	s3 =	sadd.s32 $0x88, s3;
	s6 =	simm.s32 @!p1 $0x1082;
	[sflag:s4] =	ssyncset.s32 $0xFFFFF086  }
0x25: {  	[simem:s6], [sflag:s4] =	dma.local [hbm:s3], $0xF7A  }
0x26: {  	[smem:$0x3F9A] =	sst s1;
	(tag) =	ssettag s2;
	_ =	strace s9  }
0x27: {  	s1 =	sld [smem:$0x3FAA]  }
0x28: {  	s2 =	sld [smem:$0x3FAB]  }
0x29: {  	s4 =	sld [smem:$0x3FAD]  }
0x2a: {  	p0 =	seq.s32 s5, $0x0;
	s5 =	sld [smem:$0x3FAE]  }
0x2b: {  	s6 =	sld [smem:$0x3FAF]  }
0x2c: {  	s7 =	sld [smem:$0x3FB0]  }
0x2d: {  	s3 =	simm.s32 $0x108;
	s8 =	sld [smem:$0x3FB1]  }
0x2e: {  	s3 =	simm.s32 @!p0 $0x1082;
	s9 =	sld [smem:$0x3FB2]  }
0x2f: {  	lr =	sadd.s32 s0, s3;
	s0 =	sld [smem:$0x3FA9]  }
0x30: {  	s3 =	sld [smem:$0x3FAC]  }
0x31: {  	[smem:$0x3FB5] =	sst s10  }
0x32: {  	s10 =	sld [smem:$0x3FB3];
	_ =	sdelay $0x3  }
0x33: {  	p0 =	seq.s32 s10, $0x1;
	s10 =	sld [smem:$0x3FB5];
	_ =	sdelay $0x3  }
0x34: {  	[smem:$0x3FB5] =	sst s10  }
0x35: {  	s10 =	sld [smem:$0x3FB4];
	_ =	sdelay $0x3  }
0x36: {  	p1 =	seq.s32 s10, $0x1;
	s10 =	sld [smem:$0x3FB5];
	_ =	sdelay $0x3  }
0x37: {  	[smem:$0x3FB5] =	sst s10  }
0x38: {  	s10 =	sld [smem:$0x3FB6]  }
0x39: {  	_ = 	snop;
	(pc) =	sbr.ind lr, $3  }
0x3a: {  	_ = 	snop  }
0x3b: {  	_ = 	snop  }
0x3c: {  	p2 =	seq.s32 s10, $0x1;
	s10 =	sld [smem:$0x3FB5]  }
0x3d: {  	_ =	shalt  }
0x3e: {  	_ =	shalt  }
0x3f: {  	_ =	shalt  }
0x40: {  	_ =	shalt  }
0x41: {  	_ =	shalt  }
0x42: {  	_ =	shalt  }
0x43: {  	_ =	shalt  }
0x44: {  	_ =	shalt  }
0x45: {  	_ =	shalt  }
0x46: {  	_ =	shalt  }
0x47: {  	_ =	shalt  }
0x48: {  	_ =	shalt  }
0x49: {  	_ =	shalt  }
0x4a: {  	_ =	shalt  }
0x4b: {  	_ =	shalt  }
0x4c: {  	_ =	shalt  }
0x4d: {  	_ =	shalt  }
0x4e: {  	_ =	shalt  }
0x4f: {  	_ =	shalt  }
0x50: {  	_ =	shalt  }
0x51: {  	_ =	shalt  }
0x52: {  	_ =	shalt  }
0x53: {  	_ =	shalt  }
0x54: {  	_ =	shalt  }
0x55: {  	_ =	shalt  }
0x56: {  	_ =	shalt  }
0x57: {  	_ =	shalt  }
0x58: {  	_ =	shalt  }
0x59: {  	_ =	shalt  }
0x5a: {  	_ =	shalt  }
0x5b: {  	_ =	shalt  }
0x5c: {  	_ =	shalt  }
0x5d: {  	_ =	shalt  }
0x5e: {  	_ =	shalt  }
0x5f: {  	_ =	shalt  }
0x60: {  	_ =	shalt  }
0x61: {  	_ =	shalt  }
0x62: {  	_ =	shalt  }
0x63: {  	_ =	shalt  }
0x64: {  	_ =	shalt  }
0x65: {  	_ =	shalt  }
0x66: {  	_ =	shalt  }
0x67: {  	_ =	shalt  }
0x68: {  	_ =	shalt  }
0x69: {  	_ =	shalt  }
0x6a: {  	_ =	shalt  }
0x6b: {  	_ =	shalt  }
0x6c: {  	_ =	shalt  }
0x6d: {  	_ =	shalt  }
0x6e: {  	_ =	shalt  }
0x6f: {  	_ =	shalt  }
0x70: {  	_ =	shalt  }
0x71: {  	_ =	shalt  }
0x72: {  	_ =	shalt  }
0x73: {  	_ =	shalt  }
0x74: {  	_ =	shalt  }
0x75: {  	_ =	shalt  }
0x76: {  	_ =	shalt  }
0x77: {  	_ =	shalt  }
0x78: {  	_ =	shalt  }
0x79: {  	_ =	shalt  }
0x7a: {  	_ =	shalt  }
0x7b: {  	_ =	shalt  }
0x7c: {  	_ =	shalt  }
0x7d: {  	_ =	shalt  }
0x7e: {  	_ =	shalt  }
0x7f: {  	_ =	shalt  }
0x80: {  	_ =	shalt  }
0x81: {  	_ =	shalt  }
0x82: {  	_ =	shalt  }
0x83: {  	_ =	shalt  }
0x84: {  	_ =	shalt  }
0x85: {  	_ =	shalt  }
0x86: {  	_ =	shalt  }
0x87: {  	_ =	shalt  }
.Lfunc_end0:
.L_simem_size_0:
called_computation_lowered:
.L_overlay_start_0:
0x88: {  	s2 =	sld [smem:$0x3FD9]  }
0x89: {  	s3 =	sld [smem:$0x3FFE];
	_ =	sdelay $0x1  }
0x8a: {  	s1 =	srdreg.scid  }
0x8b: {  	s0 =	sand.u32 $0x1, s1  }
0x8c: {  	s17 =	sshll.u32 s0, $0xA;
	s2 =	sadd.s32 s3, s2  }
0x8d: {  	s2 =	sadd.s32 s2, s17  }
0x8e: {  	[smem:$0x3FC1] =	sst s2  }
0x8f: {  	_ = 	snop  }
0x90: {  	s2 =	sld [smem:$0x3FD0];
	(tm) =	ssettm $0x1  }
0x91: {  	s18 =	sld [smem:$0x3FFB];
	_ =	sdelay $0x3  }
0x92: {  	_ =	strace s18  }
0x93: {  	s3 =	sld [smem:$0x3FFC];
	_ =	sdelay $0x3  }
0x94: {  	_ =	strace s3  }
0x95: {  	s3 =	sld [smem:$0x3FFD];
	_ =	sdelay $0x3  }
0x96: {  	_ =	strace s3  }
0x97: {  	_ =	strace $0x8FFFFFFF  }
0x98: {  	s19 =	sld [smem:$0x3FDB];
	_ =	sdelay $0x1  }
0x99: {  	s4 =	simm.s32 $_scs_section_size  }
0x9a: {  	s5 =	simm.s32 $_size__tile_overlayer_lowered;
	s6 =	simm.s32 $_tile_overlayer_lowered  }
0x9b: {  	s22 =	simm.s32 $0x1BFF;
	s21 =	sshll.u32 s6, $0x1;
	s3 =	sadd.s32 s4, s19  }
0x9c: {  	s7 =	simm.s32 $0x0;
	s20 =	sshll.u32 s5, $0x1;
	s5 =	sadd.s32 s21, s3  }
0x9d: {  	[timem:s7], [sflag:s22] =	dma.local [hbm:s5], s20  }
0x9e: {  	_ =	swait.ge [sflag:s22], s20  }
0x9f: {  	s4 =	ssub.s32 $0x0, s20;
	[sflag:s22] =	ssyncset.done $0x0  }
0xa0: {  	[sflag:s22] =	ssyncadd.s32 s4;
	_ =	sdelay $0x1  }
0xa1: {  	s23 =	simm.s32 $0x1B8B  }
0xa2: {  	_ =	swait.ge [sflag:s23], $0x1  }
0xa3: {  	[sflag:s23] =	ssyncset.done $0x0  }
0xa4: {  	s25 =	simm.s32 $0x1B8E;
	s24 =	sld [smem:$0x3FFE];
	[sflag:s23] =	ssyncadd.s32 $0xFFFFFFFF  }
0xa5: {  	s26 =	simm.s32 $execute0_lowered;
	[smem:$0x3FD2] =	sst s25  }
0xa6: {  	s5 =	sshll.u32 s26, $0x1;
	_ =	strace $0x80000046;
	[dreg:$0x1] =	wrdreg $0xFFFFFFFF  }
0xa7: {  	s28 =	simm.s32 $_size_execute0_lowered;
	s3 =	sadd.s32 s3, s5;
	[dreg:$0x0] =	wrdreg $0x0  }
0xa8: {  	s5 =	sshll.u32 s28, $0x1;
	[dreg:$0x2] =	wrdreg s3  }
0xa9: {  	[dreg:$0x3] =	wrdreg s5  }
0xaa: {  	[dreg:$0x4] =	wrdreg $0xC0  }
0xab: {  	_ =	task [dreg:s7], $0x5FFFF  }
0xac: {  	[dreg:$0x1] =	wrdreg $0xFFFFFFFF  }
0xad: {  	[dreg:$0x0] =	wrdreg $0x60  }
0xae: {  	[dreg:$0x2] =	wrdreg s2  }
0xaf: {  	[dreg:$0x3] =	wrdreg s24  }
0xb0: {  	[dreg:$0x4] =	wrdreg $0x93000  }
0xb1: {  	[dreg:$0x5] =	wrdreg $0x1D3000  }
0xb2: {  	[dreg:$0x6] =	wrdreg $0x9  }
0xb3: {  	_ =	task.clear_ibuf [dreg:s7], $0x7FFFF;
	_ =	strace $0x90000046  }
0xb4: {  	s29 =	simm.s32 $0x9;
	_ =	strace $0x80000048  }
0xb5: {  	_ =	swait.ge [sflag:s29], $0x1  }
0xb6: {  	[sflag:s29] =	ssyncadd.s32 $0xFFFFFFFF  }
0xb7: {  	_ =	strace $0x90000048  }
0xb8: {  	_ =	sfence  }
0xb9: {  	s30 =	sld [smem:$0x0];
	_ =	sdelay $0x2  }
0xba: {  	s31 =	sshll.u32 s1, $0xD;
	s1 =	sshrl.u32 s1, $0x2  }
0xbb: {  	s3 =	sand.u32 $0x4000, s31;
	s1 =	sadd.s32 s1, s30  }
0xbc: {  	s0 =	sor.u32 s3, s0;
	s1 =	sshll.u32 s1, $0x11  }
0xbd: {  	s0 =	sor.u32 s1, s0  }
0xbe: {  	s0 =	sadd.s32 $0x8F2B, s0  }
0xbf: {  	[sflag:s0] =	ssyncadd.remote.s32 $0x1  }
0xc0: {  	_ =	sfence.sel $0xFFFF  }
0xc1: {  	[dreg:$0x0] =	wrdreg $0xFFFFFFFF;
	(pc) =	sbr.abs _section_cstart, $3  }
0xc2: {  	[dreg:$0x1] =	wrdreg $0xFFFFFFFF  }
0xc3: {  	_ =	task.clear_ibuf [dreg:s7], $0x2FFFF;
	_ =	strace $0x9FFFFFFF  }
0xc4: {  	(tm) =	ssettm $0x7FFFFFFF  }
0xc5: {  	_ =	shalt  }
tec
execute0_lowered:
.L_overlay_start_1:
0x0: {  	(tag) =	ssettag $0x1  }
0x1: {  	s0 =	rddreg [dreg:$0x0]  }
0x2: {  	s5 =	rddreg [dreg:$0x1]  }
0x3: {  	s1 =	rddreg [dreg:$0x2]  }
0x4: {  	s2 =	rddreg [dreg:$0x3];
	s3 =	simm.s32 $0x0;
	s10 =	srdreg.scid  }
0x5: {  	s23 =	stileid.u32;
	s28 =	simm.s32 $0x9080;
	s30 =	simm.s32 $0x80  }
0x6: {  	s31 =	simm.s32 $0x5000;
	[smem:$0x7FF] =	sst s3;
	s4 =	sadd.s32 $0x1A00, s5  }
0x7: {  	s6 =	sadd.s32 $0xBC00, s5;
	s7 =	sadd.s32 $0x5C200, s5;
	s9 =	sadd.s32 $0x5BC00, s5  }
0x8: {  	s8 =	sadd.s32 $0x85600, s5;
	s15 =	smul.u32 $0x280, s23;
	s16 =	sadd.s32 $0x5D600, s5  }
0x9: {  	s17 =	sadd.s32 $0x5CA00, s5;
	s12 =	smul.u32 $0x50000, s23;
	_ =	strace $0x80000047  }
0xa: {  	[dreg:$0x6] =	wrdreg s7;
	s7 =	sand.u32 $0x1, s10;
	s10 =	smul.u32 $0x50, s23  }
0xb: {  	s5 =	sadd.s32 $0x5D000, s5;
	[dreg:$0x7] =	wrdreg s9;
	s23 =	smul.u32 $0x2800, s23  }
0xc: {  	s9 =	ssub.s32 $0x2, s7;
	p0 =	seq.s32 s7, $0x0;
	s19 =	sadd.s32 $0x80, s15  }
0xd: {  	s20 =	sadd.s32 $0x100, s15;
	s21 =	sadd.s32 $0x180, s15;
	s22 =	sadd.s32 $0x200, s15  }
0xe: {  	s11 =	sshrl.u32 s9, $0x1;
	s7 =	sadd.s32 $0x500, s10;
	s13 =	sshll.u32 s20, $0x7  }
0xf: {  	s14 =	sshll.u32 s21, $0x7;
	s16 =	smov.u32 @p0 s8;
	s5 =	smov.u32 @p0 s17  }
0x10: {  	s24 =	sshll.u32 s19, $0x4;
	s25 =	sshll.u32 s20, $0x4;
	s26 =	sshll.u32 s21, $0x4  }
0x11: {  	s29 =	sshll.u32 s22, $0x4;
	s18 =	ssub.s32 s9, s11;
	s11 =	sshrl.u32 s12, $0x2  }
0x12: {  	s7 =	smov.u32 @p0 s10;
	s12 =	sshll.u32 s19, $0x7;
	s8 =	sadd.s32 s16, s23  }
0x13: {  	s17 =	sadd.s32 s16, s24;
	s23 =	sadd.s32 s16, s26;
	s24 =	sadd.s32 s16, s29  }
0x14: {  	s9 =	sadd.s32 s11, s1;
	s10 =	sadd.s32 s12, s1;
	[dreg:$0x8] =	wrdreg s8  }
0x15: {  	s11 =	sadd.s32 s13, s1;
	s12 =	sadd.s32 s14, s1;
	[dreg:$0x9] =	wrdreg s17  }
0x16: {  	s13 =	sshll.u32 s22, $0x7;
	s14 =	sadd.s32 s15, s2;
	[dreg:$0xb] =	wrdreg s23  }
0x17: {  	s7 =	sshll.u32 s7, $0x4;
	s22 =	sadd.s32 s16, s25;
	[dreg:$0xc] =	wrdreg s24  }
0x18: {  	s15 =	sshrl.u32 s15, $0x3;
	s29 =	smax.u32 s18, $0x1;
	[dreg:$0xa] =	wrdreg s22  }
0x19: {  	s18 =	simm.s32 $0x0;
	s25 =	sadd.s32 s0, s7;
	[dreg:$0x10] =	wrdreg s29  }
0x1a: {  	s13 =	sadd.s32 s13, s1;
	s5 =	sadd.s32 s5, s15;
	[dreg:$0xd] =	wrdreg s25  }
0x1b: {  	s26 =	sadd.s32 s4, s7;
	s0 =	sadd.s32 $0x40, s0;
	[dreg:$0xe] =	wrdreg s5  }
0x1c: {  	s24 =	sor.u32 $0x20, s7;
	s7 =	simm.s32 $0x2;
	[dreg:$0xf] =	wrdreg s26  }
0x1d: {  	s15 =	simm.s32 $0x1;
	[dreg:$0x5] =	wrdreg s0;
	s25 =	simm.s32 $0x1000  }
0x1e: {  	v0 =	vimm.f32 $1.000000000e+00;
	s26 =	simm.s32 $0x4;
	s0 =	simm.s32 $0x9000;
	s5 =	simm.s32 $0x3  }
.LBB2_1:
0x1f: {  	s8 =	rddreg [dreg:$0x6]  }
0x20: {  	[tilespmem:s25], [sflag:$0x4] =	stream.linear.gather [hbm4b:s8+s3], $0x4000, $0x38;
	[tilespmem:$0x1D580] =	vst v63  }
0x21: {  	_ =	swait.ge [sflag:s26], $0x4000  }
0x22: {  	[sflag:s26] =	ssyncset.done $0x0  }
0x23: {  	s19 =	rddreg [dreg:$0x7];
	[sflag:s26] =	ssyncadd.s32 $0xFFFFC000  }
0x24: {  	[tilespmem:s28], [sflag:$0x4] =	stream.linear.gather [hbm4b:s19+s3], $0x280, $0x38;
	[tilespmem:$0x1D580] =	vst v63  }
0x25: {  	_ =	swait.ge [sflag:s26], $0x280  }
0x26: {  	[sflag:s26] =	ssyncset.done $0x0  }
0x27: {  	[sflag:s26] =	ssyncadd.s32 $0xFFFFFD80  }
0x28: {  	[spmem:s9] =	stream.linear.scatter [tilespmem:s25], [sflag:$0x4], $0x4000, $0x38;
	[tilespmem:$0x1D580] =	vst v63  }
0x29: {  	_ =	swait.ge [sflag:s26], $0x4000  }
0x2a: {  	[sflag:s26] =	ssyncset.done $0x0  }
0x2b: {  	[sflag:s26] =	ssyncadd.s32 $0xFFFFC000  }
0x2c: {  	[spmem:s10] =	stream.linear.scatter [tilespmem:s25], [sflag:$0x4], $0x4000, $0x38;
	[tilespmem:$0x1D580] =	vst v63  }
0x2d: {  	_ =	swait.ge [sflag:s26], $0x4000  }
0x2e: {  	[sflag:s26] =	ssyncset.done $0x0  }
0x2f: {  	[sflag:s26] =	ssyncadd.s32 $0xFFFFC000  }
0x30: {  	[spmem:s11] =	stream.linear.scatter [tilespmem:s25], [sflag:$0x4], $0x4000, $0x38;
	[tilespmem:$0x1D580] =	vst v63  }
0x31: {  	_ =	swait.ge [sflag:s26], $0x4000  }
0x32: {  	[sflag:s26] =	ssyncset.done $0x0  }
0x33: {  	[sflag:s26] =	ssyncadd.s32 $0xFFFFC000  }
0x34: {  	[spmem:s12] =	stream.linear.scatter [tilespmem:s25], [sflag:$0x4], $0x4000, $0x38;
	[tilespmem:$0x1D580] =	vst v63  }
0x35: {  	_ =	swait.ge [sflag:s26], $0x4000  }
0x36: {  	[sflag:s26] =	ssyncset.done $0x0  }
0x37: {  	[sflag:s26] =	ssyncadd.s32 $0xFFFFC000  }
0x38: {  	[spmem:s13] =	stream.linear.scatter [tilespmem:s25], [sflag:$0x4], $0x4000, $0x38;
	[tilespmem:$0x1D580] =	vst v63  }
0x39: {  	_ =	swait.ge [sflag:s26], $0x4000  }
0x3a: {  	[sflag:s26] =	ssyncset.done $0x0  }
0x3b: {  	[sflag:s26] =	ssyncadd.s32 $0xFFFFC000  }
0x3c: {  	[spmem:s14] =	stream.linear.scatter [tilespmem:s28], [sflag:$0x4], $0x280, $0x38;
	[tilespmem:$0x1D580] =	vst v63  }
0x3d: {  	_ =	swait.ge [sflag:s26], $0x280  }
0x3e: {  	[sflag:s26] =	ssyncset.done $0x0  }
0x3f: {  	[sflag:s26] =	ssyncadd.s32 $0xFFFFFD80  }
0x40: {  	[tilespmem:$0x9000] =	vst v0  }
0x41: {  	[tilespmem:$0x9010] =	vst v0  }
0x42: {  	[tilespmem:$0x9020] =	vst v0  }
0x43: {  	[tilespmem:$0x9030] =	vst v0  }
0x44: {  	[tilespmem:$0x9040] =	vst v0  }
0x45: {  	[tilespmem:$0x9050] =	vst v0  }
0x46: {  	[tilespmem:$0x9060] =	vst v0  }
0x47: {  	s20 =	rddreg [dreg:$0xd];
	[tilespmem:$0x9070] =	vst v0  }
0x48: {  	[tilespmem:s3], [sflag:$0x4] =	stream.linear.gather [hbm4b:s20+s3], $0x800, $0x38;
	[tilespmem:$0x1D580] =	vst v63  }
0x49: {  	_ =	swait.ge [sflag:s26], $0x800  }
0x4a: {  	[sflag:s26] =	ssyncset.done $0x0  }
0x4b: {  	s16 =	simm.s32 $0x800;
	s21 =	rddreg [dreg:$0xf];
	[sflag:s26] =	ssyncadd.s32 $0xFFFFF800  }
0x4c: {  	[tilespmem:s16], [sflag:$0x4] =	stream.linear.gather [hbm4b:s21+s3], $0x800, $0x38;
	[tilespmem:$0x1D580] =	vst v63  }
0x4d: {  	_ =	swait.ge [sflag:s26], $0x800  }
0x4e: {  	[sflag:s26] =	ssyncset.done $0x0  }
0x4f: {  	[sflag:s26] =	ssyncadd.s32 $0xFFFFF800  }
0x50: {  	[bflag:$0x0] =	sbarrier.arrive $0xFFFF  }
0x51: {  	[tilespmem:s25], [sflag:$0x1] =	stream.indirect.gather [hbm4b:s6+s30], $0x80, s3, s30, $0xb8;
	[tilespmem:$0x1D580] =	vst v63  }
0x52: {  	_ = 	snop  }
0x53: {  	[tilespmem:s31], [sflag:$0x2] =	stream.indirect.gather [hbm4b:s6+s30], $0x80, s30, s30, $0xb8;
	[tilespmem:$0x1D580] =	vst v63  }
0x54: {  	_ =	swait.ge [sflag:s15], $0x4000  }
0x55: {  	[sflag:s15] =	ssyncset.done $0x0  }
0x56: {  	[sflag:s15] =	ssyncadd.s32 $0xFFFFC000  }
0x57: {  	[spmem:s1] =	stream.indirect.scatter.add.f32 [tilespmem:s25], [sflag:$0x4], $0x80, s16, s30, $0xb8;
	[tilespmem:$0x1D580] =	vst v63  }
0x58: {  	_ =	swait.ge [sflag:s26], $0x4000  }
0x59: {  	[sflag:s26] =	ssyncset.done $0x0  }
0x5a: {  	[sflag:s26] =	ssyncadd.s32 $0xFFFFC000  }
0x5b: {  	[spmem:s2] =	stream.indirect.scatter.add.f32 [tilespmem:s0], [sflag:$0x3], $0x1, s16, s30, $0xb8;
	[tilespmem:$0x1D580] =	vst v63  }
0x5c: {  	s22 =	simm.s32 $0x100  }
0x5d: {  	[tilespmem:s25], [sflag:$0x1] =	stream.indirect.gather [hbm4b:s6+s30], $0x80, s22, s30, $0xb8;
	[tilespmem:$0x1D580] =	vst v63  }
0x5e: {  	_ =	swait.ge [sflag:s5], $0x80  }
0x5f: {  	[sflag:s5] =	ssyncset.done $0x0  }
0x60: {  	[sflag:s5] =	ssyncadd.s32 $0xFFFFFF80  }
0x61: {  	_ =	swait.ge [sflag:s7], $0x4000  }
0x62: {  	[sflag:s7] =	ssyncset.done $0x0  }
0x63: {  	s23 =	simm.s32 $0x880;
	[sflag:s7] =	ssyncadd.s32 $0xFFFFC000  }
0x64: {  	[spmem:s1] =	stream.indirect.scatter.add.f32 [tilespmem:s31], [sflag:$0x4], $0x80, s23, s30, $0xb8;
	[tilespmem:$0x1D580] =	vst v63  }
0x65: {  	_ =	swait.ge [sflag:s26], $0x4000  }
0x66: {  	[sflag:s26] =	ssyncset.done $0x0  }
0x67: {  	s19 =	sand.u32 $0x7, s15;
	[sflag:s26] =	ssyncadd.s32 $0xFFFFC000  }
0x68: {  	[spmem:s2] =	stream.indirect.scatter.add.f32 [tilespmem:s0], [sflag:$0x3], $0x1, s23, s30, $0xb8;
	[tilespmem:$0x1D580] =	vst v63  }
0x69: {  	s29 =	simm.s32 $0x180;
	p0 =	sne.s32 s19, $0x0  }
0x6a: {  	[tilespmem:s31], [sflag:$0x2] =	stream.indirect.gather [hbm4b:s6+s30], $0x80, s29, s30, $0xb8;
	[tilespmem:$0x1D580] =	vst v63  }
0x6b: {  	s20 =	sand.u32 @!p0 $0x1FFFFF00, s24;
	_ =	swait.ge [sflag:s5], $0x80  }
0x6c: {  	s20 =	sadd.s32 @!p0 s4, s20;
	[sflag:s5] =	ssyncset.done $0x0  }
0x6d: {  	s21 =	simm.s32 @!p0 $0x800;
	s22 =	simm.s32 @!p0 $0x0;
	[sflag:s5] =	ssyncadd.s32 $0xFFFFFF80  }
0x6e: {  	[tilespmem:s21], [sflag:$0x4] =	stream.linear.gather @!p0 [hbm4b:s20+s22], $0x800, $0x38;
	[tilespmem:$0x1D580] =	vst v63  }
0x6f: {  	s20 =	simm.s32 @!p0 $0x4  }
0x70: {  	_ =	swait.ge @!p0 [sflag:s20], $0x800  }
0x71: {  	[sflag:s20] =	ssyncset.done @!p0 $0x0  }
0x72: {  	s16 =	simm.s32 $0x400;
	[sflag:s20] =	ssyncadd.s32 @!p0 $0xFFFFF800  }
0x73: {  	s20 =	sand.u32 $0x1C00, s16;
	_ =	swait.ge [sflag:s15], $0x4000  }
0x74: {  	s20 =	sshrl.u32 s20, $0x2;
	[sflag:s15] =	ssyncset.done $0x0  }
0x75: {  	s17 =	sor.u32 $0x800, s20;
	[sflag:s15] =	ssyncadd.s32 $0xFFFFC000  }
0x76: {  	[spmem:s1] =	stream.indirect.scatter.add.f32 [tilespmem:s25], [sflag:$0x4], $0x80, s17, s30, $0xb8;
	[tilespmem:$0x1D580] =	vst v63  }
0x77: {  	_ =	swait.ge [sflag:s26], $0x4000  }
0x78: {  	p0 =	sne.s32 s19, $0x7;
	[sflag:s26] =	ssyncset.done $0x0;
	s22 =	rddreg [dreg:$0x5]  }
0x79: {  	[sflag:s26] =	ssyncadd.s32 $0xFFFFC000;
	s19 =	sadd.s32 @!p0 s24, s22  }
0x7a: {  	[spmem:s2] =	stream.indirect.scatter.add.f32 [tilespmem:s0], [sflag:$0x3], $0x1, s17, s30, $0xb8;
	[tilespmem:$0x1D580] =	vst v63  }
0x7b: {  	s21 =	simm.s32 @!p0 $0x0;
	s22 =	simm.s32 @!p0 $0x4;
	s19 =	sadd.s32 @!p0 $0xFFFFFFE0, s19  }
0x7c: {  	[tilespmem:s21], [sflag:$0x4] =	stream.linear.gather @!p0 [hbm4b:s19+s21], $0x800, $0x38;
	[tilespmem:$0x1D580] =	vst v63  }
0x7d: {  	s21 =	simm.s32 $0x800;
	_ =	swait.ge @!p0 [sflag:s22], $0x800  }
0x7e: {  	s19 =	sand.u32 $0x1C00, s21;
	[sflag:s22] =	ssyncset.done @!p0 $0x0  }
0x7f: {  	s19 =	sshrl.u32 s19, $0x2;
	[sflag:s22] =	ssyncadd.s32 @!p0 $0xFFFFF800  }
0x80: {  	[tilespmem:s25], [sflag:$0x1] =	stream.indirect.gather [hbm4b:s6+s30], $0x80, s19, s30, $0xb8;
	[tilespmem:$0x1D580] =	vst v63  }
0x81: {  	_ =	swait.ge [sflag:s5], $0x80  }
0x82: {  	[sflag:s5] =	ssyncset.done $0x0  }
0x83: {  	[sflag:s5] =	ssyncadd.s32 $0xFFFFFF80  }
0x84: {  	_ =	swait.ge [sflag:s7], $0x4000  }
0x85: {  	[sflag:s7] =	ssyncset.done $0x0  }
0x86: {  	s23 =	sadd.s32 $0x880, s20;
	[sflag:s7] =	ssyncadd.s32 $0xFFFFC000  }
0x87: {  	[spmem:s1] =	stream.indirect.scatter.add.f32 [tilespmem:s31], [sflag:$0x4], $0x80, s23, s30, $0xb8;
	[tilespmem:$0x1D580] =	vst v63  }
0x88: {  	s29 =	simm.s32 $0xA00;
	_ =	swait.ge [sflag:s26], $0x4000  }
0x89: {  	s20 =	sadd.s32 $0x20, s24;
	s21 =	simm.s32 $0x2;
	[sflag:s26] =	ssyncset.done $0x0  }
0x8a: {  	s22 =	sand.u32 $0x1E00, s29;
	s19 =	simm.s32 $0xE00;
	[sflag:s26] =	ssyncadd.s32 $0xFFFFC000  }
0x8b: {  	[spmem:s2] =	stream.indirect.scatter.add.f32 [tilespmem:s0], [sflag:$0x3], $0x1, s23, s30, $0xb8;
	[tilespmem:$0x1D580] =	vst v63  }
.LBB2_2:
0x8c: {  	s23 =	sand.u32 $0x7, s21;
	s8 =	sshrl.u32 s22, $0x2  }
0x8d: {  	[tilespmem:s31], [sflag:$0x2] =	stream.indirect.gather [hbm4b:s6+s30], $0x80, s8, s30, $0xb8;
	[tilespmem:$0x1D580] =	vst v63  }
0x8e: {  	p1 =	sne.s32 s23, $0x0  }
0x8f: {  	_ =	swait.ge [sflag:s5], $0x80;
	s8 =	sand.u32 @!p1 $0x1FFFFF00, s20  }
0x90: {  	s16 =	simm.s32 @!p1 $0x800;
	s17 =	simm.s32 @!p1 $0x0;
	[sflag:s5] =	ssyncset.done $0x0  }
0x91: {  	s29 =	simm.s32 @!p1 $0x4;
	s8 =	sadd.s32 @!p1 s4, s8;
	[sflag:s5] =	ssyncadd.s32 $0xFFFFFF80  }
0x92: {  	[tilespmem:s16], [sflag:$0x4] =	stream.linear.gather @!p1 [hbm4b:s8+s17], $0x800, $0x38;
	[tilespmem:$0x1D580] =	vst v63  }
0x93: {  	_ =	swait.ge @!p1 [sflag:s29], $0x800  }
0x94: {  	s22 =	smov.u32 s19;
	[sflag:s29] =	ssyncset.done @!p1 $0x0  }
0x95: {  	s17 =	sadd.s32 $0xFFFFFA00, s22;
	[sflag:s29] =	ssyncadd.s32 @!p1 $0xFFFFF800  }
0x96: {  	s8 =	sand.u32 $0x1C00, s17;
	_ =	swait.ge [sflag:s15], $0x4000  }
0x97: {  	s8 =	sshrl.u32 s8, $0x2;
	[sflag:s15] =	ssyncset.done $0x0  }
0x98: {  	s29 =	sor.u32 $0x800, s8;
	[sflag:s15] =	ssyncadd.s32 $0xFFFFC000  }
0x99: {  	[spmem:s1] =	stream.indirect.scatter.add.f32 [tilespmem:s25], [sflag:$0x4], $0x80, s29, s30, $0xb8;
	[tilespmem:$0x1D580] =	vst v63  }
0x9a: {  	_ =	swait.ge [sflag:s26], $0x4000  }
0x9b: {  	p1 =	sne.s32 s23, $0x7;
	[sflag:s26] =	ssyncset.done $0x0;
	s17 =	rddreg [dreg:$0x5]  }
0x9c: {  	[sflag:s26] =	ssyncadd.s32 $0xFFFFC000;
	s16 =	sadd.s32 @!p1 s20, s17  }
0x9d: {  	[spmem:s2] =	stream.indirect.scatter.add.f32 [tilespmem:s0], [sflag:$0x3], $0x1, s29, s30, $0xb8;
	[tilespmem:$0x1D580] =	vst v63  }
0x9e: {  	s23 =	simm.s32 @!p1 $0x4;
	s17 =	simm.s32 @!p1 $0x0;
	s16 =	sadd.s32 @!p1 $0xFFFFFFE0, s16  }
0x9f: {  	[tilespmem:s17], [sflag:$0x4] =	stream.linear.gather @!p1 [hbm4b:s16+s17], $0x800, $0x38;
	[tilespmem:$0x1D580] =	vst v63  }
0xa0: {  	s29 =	sadd.s32 $0xFFFFFE00, s22;
	_ =	swait.ge @!p1 [sflag:s23], $0x800  }
0xa1: {  	s29 =	sand.u32 $0x1C00, s29;
	[sflag:s23] =	ssyncset.done @!p1 $0x0  }
0xa2: {  	s16 =	sshrl.u32 s29, $0x2;
	[sflag:s23] =	ssyncadd.s32 @!p1 $0xFFFFF800  }
0xa3: {  	[tilespmem:s25], [sflag:$0x1] =	stream.indirect.gather [hbm4b:s6+s30], $0x80, s16, s30, $0xb8;
	[tilespmem:$0x1D580] =	vst v63  }
0xa4: {  	_ =	swait.ge [sflag:s5], $0x80  }
0xa5: {  	[sflag:s5] =	ssyncset.done $0x0  }
0xa6: {  	[sflag:s5] =	ssyncadd.s32 $0xFFFFFF80  }
0xa7: {  	_ =	swait.ge [sflag:s7], $0x4000  }
0xa8: {  	s19 =	sadd.s32 $0x400, s19;
	[sflag:s7] =	ssyncset.done $0x0  }
0xa9: {  	p0 =	sne.s32 s19, $0xA200;
	s8 =	sadd.s32 $0x880, s8;
	[sflag:s7] =	ssyncadd.s32 $0xFFFFC000  }
0xaa: {  	[spmem:s1] =	stream.indirect.scatter.add.f32 [tilespmem:s31], [sflag:$0x4], $0x80, s8, s30, $0xb8;
	[tilespmem:$0x1D580] =	vst v63  }
.Ltmp0:
0xab: {  	_ = 	snop;
	(pc) =	sbr.rel @p0 .LBB2_2-.Ltmp0, $4  }
0xac: {  	_ =	swait.ge [sflag:s26], $0x4000  }
0xad: {  	s21 =	sadd.s32 $0x1, s21;
	[sflag:s26] =	ssyncset.done $0x0  }
0xae: {  	s20 =	sadd.s32 $0x20, s20;
	s22 =	sand.u32 $0x1E00, s22;
	[sflag:s26] =	ssyncadd.s32 $0xFFFFC000  }
0xaf: {  	[spmem:s2] =	stream.indirect.scatter.add.f32 [tilespmem:s0], [sflag:$0x3], $0x1, s8, s30, $0xb8;
	[tilespmem:$0x1D580] =	vst v63  }
0xb0: {  	s8 =	sshrl.u32 s22, $0x2  }
0xb1: {  	[tilespmem:s31], [sflag:$0x2] =	stream.indirect.gather [hbm4b:s6+s30], $0x80, s8, s30, $0xb8;
	[tilespmem:$0x1D580] =	vst v63  }
0xb2: {  	_ =	swait.ge [sflag:s5], $0x80  }
0xb3: {  	[sflag:s5] =	ssyncset.done $0x0  }
0xb4: {  	[sflag:s5] =	ssyncadd.s32 $0xFFFFFF80  }
0xb5: {  	_ =	swait.ge [sflag:s15], $0x4000  }
0xb6: {  	[sflag:s15] =	ssyncset.done $0x0  }
0xb7: {  	s29 =	simm.s32 $0xF00;
	[sflag:s15] =	ssyncadd.s32 $0xFFFFC000  }
0xb8: {  	[spmem:s1] =	stream.indirect.scatter.add.f32 [tilespmem:s25], [sflag:$0x4], $0x80, s29, s30, $0xb8;
	[tilespmem:$0x1D580] =	vst v63  }
0xb9: {  	_ =	swait.ge [sflag:s26], $0x4000  }
0xba: {  	[sflag:s26] =	ssyncset.done $0x0  }
0xbb: {  	[sflag:s26] =	ssyncadd.s32 $0xFFFFC000  }
0xbc: {  	[spmem:s2] =	stream.indirect.scatter.add.f32 [tilespmem:s0], [sflag:$0x3], $0x1, s29, s30, $0xb8;
	[tilespmem:$0x1D580] =	vst v63  }
0xbd: {  	_ =	swait.ge [sflag:s5], $0x80  }
0xbe: {  	[sflag:s5] =	ssyncset.done $0x0  }
0xbf: {  	[sflag:s5] =	ssyncadd.s32 $0xFFFFFF80  }
0xc0: {  	_ =	swait.ge [sflag:s7], $0x4000  }
0xc1: {  	[sflag:s7] =	ssyncset.done $0x0  }
0xc2: {  	s16 =	simm.s32 $0xF80;
	[sflag:s7] =	ssyncadd.s32 $0xFFFFC000  }
0xc3: {  	[spmem:s1] =	stream.indirect.scatter.add.f32 [tilespmem:s31], [sflag:$0x4], $0x80, s16, s30, $0xb8;
	[tilespmem:$0x1D580] =	vst v63  }
0xc4: {  	_ =	swait.ge [sflag:s26], $0x4000  }
0xc5: {  	[sflag:s26] =	ssyncset.done $0x0  }
0xc6: {  	[sflag:s26] =	ssyncadd.s32 $0xFFFFC000  }
0xc7: {  	[spmem:s2] =	stream.indirect.scatter.add.f32 [tilespmem:s0], [sflag:$0x3], $0x1, s16, s30, $0xb8;
	[tilespmem:$0x1D580] =	vst v63  }
0xc8: {  	_ =	swait.ge [sflag:s5], $0x80  }
0xc9: {  	[sflag:s5] =	ssyncset.done $0x0  }
0xca: {  	[sflag:s5] =	ssyncadd.s32 $0xFFFFFF80  }
0xcb: {  	[bflag:$0x0] =	sbarrier.arrive $0xFFFF  }
0xcc: {  	[tilespmem:s25], [sflag:$0x4] =	stream.linear.gather [spmem:s9], $0x4000, $0x38;
	[tilespmem:$0x1D580] =	vst v63  }
0xcd: {  	_ =	swait.ge [sflag:s26], $0x4000  }
0xce: {  	[sflag:s26] =	ssyncset.done $0x0  }
0xcf: {  	s17 =	rddreg [dreg:$0x8];
	[sflag:s26] =	ssyncadd.s32 $0xFFFFC000  }
0xd0: {  	[hbm4b:s17+s3] =	stream.linear.scatter [tilespmem:s25], [sflag:$0x4], $0x4000, $0x38;
	[tilespmem:$0x1D580] =	vst v63  }
0xd1: {  	_ =	swait.ge [sflag:s26], $0x4000  }
0xd2: {  	[sflag:s26] =	ssyncset.done $0x0  }
0xd3: {  	[sflag:s26] =	ssyncadd.s32 $0xFFFFC000  }
0xd4: {  	[tilespmem:s25], [sflag:$0x4] =	stream.linear.gather [spmem:s10], $0x4000, $0x38;
	[tilespmem:$0x1D580] =	vst v63  }
0xd5: {  	_ =	swait.ge [sflag:s26], $0x4000  }
0xd6: {  	[sflag:s26] =	ssyncset.done $0x0  }
0xd7: {  	s19 =	rddreg [dreg:$0x9];
	[sflag:s26] =	ssyncadd.s32 $0xFFFFC000  }
0xd8: {  	[hbm4b:s19+s3] =	stream.linear.scatter [tilespmem:s25], [sflag:$0x4], $0x4000, $0x38;
	[tilespmem:$0x1D580] =	vst v63  }
0xd9: {  	_ =	swait.ge [sflag:s26], $0x4000  }
0xda: {  	[sflag:s26] =	ssyncset.done $0x0  }
0xdb: {  	[sflag:s26] =	ssyncadd.s32 $0xFFFFC000  }
0xdc: {  	[tilespmem:s25], [sflag:$0x4] =	stream.linear.gather [spmem:s11], $0x4000, $0x38;
	[tilespmem:$0x1D580] =	vst v63  }
0xdd: {  	_ =	swait.ge [sflag:s26], $0x4000  }
0xde: {  	[sflag:s26] =	ssyncset.done $0x0  }
0xdf: {  	s20 =	rddreg [dreg:$0xa];
	[sflag:s26] =	ssyncadd.s32 $0xFFFFC000  }
0xe0: {  	[hbm4b:s20+s3] =	stream.linear.scatter [tilespmem:s25], [sflag:$0x4], $0x4000, $0x38;
	[tilespmem:$0x1D580] =	vst v63  }
0xe1: {  	_ =	swait.ge [sflag:s26], $0x4000  }
0xe2: {  	[sflag:s26] =	ssyncset.done $0x0  }
0xe3: {  	[sflag:s26] =	ssyncadd.s32 $0xFFFFC000  }
0xe4: {  	[tilespmem:s25], [sflag:$0x4] =	stream.linear.gather [spmem:s12], $0x4000, $0x38;
	[tilespmem:$0x1D580] =	vst v63  }
0xe5: {  	_ =	swait.ge [sflag:s26], $0x4000  }
0xe6: {  	[sflag:s26] =	ssyncset.done $0x0  }
0xe7: {  	s21 =	rddreg [dreg:$0xb];
	[sflag:s26] =	ssyncadd.s32 $0xFFFFC000  }
0xe8: {  	[hbm4b:s21+s3] =	stream.linear.scatter [tilespmem:s25], [sflag:$0x4], $0x4000, $0x38;
	[tilespmem:$0x1D580] =	vst v63  }
0xe9: {  	_ =	swait.ge [sflag:s26], $0x4000  }
0xea: {  	[sflag:s26] =	ssyncset.done $0x0  }
0xeb: {  	[sflag:s26] =	ssyncadd.s32 $0xFFFFC000  }
0xec: {  	[tilespmem:s25], [sflag:$0x4] =	stream.linear.gather [spmem:s13], $0x4000, $0x38;
	[tilespmem:$0x1D580] =	vst v63  }
0xed: {  	_ =	swait.ge [sflag:s26], $0x4000  }
0xee: {  	[sflag:s26] =	ssyncset.done $0x0  }
0xef: {  	s22 =	rddreg [dreg:$0xc];
	[sflag:s26] =	ssyncadd.s32 $0xFFFFC000  }
0xf0: {  	[hbm4b:s22+s3] =	stream.linear.scatter [tilespmem:s25], [sflag:$0x4], $0x4000, $0x38;
	[tilespmem:$0x1D580] =	vst v63  }
0xf1: {  	_ =	swait.ge [sflag:s26], $0x4000  }
0xf2: {  	[sflag:s26] =	ssyncset.done $0x0  }
0xf3: {  	[sflag:s26] =	ssyncadd.s32 $0xFFFFC000  }
0xf4: {  	[tilespmem:s28], [sflag:$0x4] =	stream.linear.gather [spmem:s14], $0x280, $0x38;
	[tilespmem:$0x1D580] =	vst v63  }
0xf5: {  	_ =	swait.ge [sflag:s26], $0x280  }
0xf6: {  	[sflag:s26] =	ssyncset.done $0x0  }
0xf7: {  	s23 =	rddreg [dreg:$0xe];
	[sflag:s26] =	ssyncadd.s32 $0xFFFFFD80  }
0xf8: {  	[hbm4b:s23+s3] =	stream.linear.scatter [tilespmem:s28], [sflag:$0x4], $0x280, $0x38;
	[tilespmem:$0x1D580] =	vst v63  }
0xf9: {  	_ =	swait.ge [sflag:s26], $0x280  }
0xfa: {  	s18 =	sadd.s32 $0x1, s18;
	s29 =	rddreg [dreg:$0x10]  }
0xfb: {  	p0 =	sne.s32 s18, s29  }
.Ltmp1:
0xfc: {  	_ = 	snop;
	(pc) =	sbr.rel @p0 .LBB2_1-.Ltmp1, $3  }
0xfd: {  	_ =	sdelay $0x1  }
0xfe: {  	[sflag:s26] =	ssyncset.done $0x0  }
0xff: {  	[sflag:s26] =	ssyncadd.s32 $0xFFFFFD80  }
0x100: {  	_ =	sfence.sel $0x180000  }
0x101: {  	[bflag:$0x0] =	sbarrier.arrive $0xFFFF  }
0x102: {  	_ =	strace $0x90000047  }
0x103: {  	s0 =	stileid.u32;
	[bflag:$0x2] =	sbarrier.arrive $0xFFFF  }
0x104: {  	p0 =	sne.s32 s0, $0x0;
	s0 =	rddreg [dreg:$0x4]  }
0x105: {  	s0 =	sadd.s32 @!p0 $0x100000, s0  }
0x106: {  	[sflag:s0] =	ssyncadd.tile.s32 @!p0 $0x1;
	_ =	shalt  }
.Lfunc_end2:
_tile_overlayer_lowered:
.L_overlay_start_2:
0x107: {  	(tag) =	ssettag $0x2  }
0x108: {  	s0 =	rddreg [dreg:$0x0];
	s2 =	stileid.u32  }
0x109: {  	s1 =	rddreg [dreg:$0x1];
	p0 =	sne.s32 s2, $0x0  }
0x10a: {  	s3 =	rddreg [dreg:$0x2];
	[bflag:$0x3] =	sbarrier.arrive $0xFFFF;
	s2 =	simm.s32 @!p0 $0x1C04  }
0x10b: {  	[timem:s3], [sflag:s2] =	dma.local @!p0 [hbm:s0], s1  }
0x10c: {  	s0 =	simm.s32 @!p0 $0x4  }
0x10d: {  	_ =	swait.ge @!p0 [sflag:s0], s1  }
0x10e: {  	s1 =	ssub.s32 @!p0 $0x0, s1;
	[sflag:s0] =	ssyncset.done @!p0 $0x0  }
0x10f: {  	[sflag:s0] =	ssyncadd.s32 @!p0 s1  }
0x110: {  	[bflag:$0x3] =	sbarrier.arrive $0xFFFF  }
0x111: {  	_ =	shalt  }

</sc_bundles>
